<compile_context>
chip_gen: v7x
topology: tpu7x:2x2x1
jax: 0.10.2.dev20260603
libtpu: 0.0.44.dev20260713+nightly
codegen_flags: <defaults>
</compile_context>

<pallas_src>
import functools

import jax
import jax.numpy as jnp
from jax import lax
from jax.experimental import pallas as pl
from jax.experimental.pallas import tpu as pltpu
from jax.experimental.pallas import tpu_sc as plsc

VOCAB = 100000
EMBED = 128
BATCH = 16384
L = 16
NW = 32
BPW = BATCH // NW
CHUNK = 128
NCHUNK = BPW // CHUNK
GROUPS = CHUNK // L
KCH = EMBED // L


@functools.partial(
    pl.kernel,
    out_type=jax.ShapeDtypeStruct((NW * L // EMBED, EMBED), jnp.float32),
    mesh=plsc.VectorSubcoreMesh(core_axis_name="c", subcore_axis_name="s"),
    compiler_params=pltpu.CompilerParams(needs_layout_passes=False,
                                         disable_bounds_checks=True),
    scratch_types=[
        pltpu.VMEM((BPW,), jnp.int32),
        pltpu.VMEM((BPW,), jnp.int32),
        pltpu.VMEM((BPW,), jnp.float32),
        pltpu.VMEM((BPW,), jnp.float32),
        pltpu.VMEM((2, CHUNK, EMBED), jnp.float32),
        pltpu.VMEM((2, CHUNK, EMBED), jnp.float32),
        pltpu.VMEM((2, CHUNK), jnp.float32),
        pltpu.VMEM((2, CHUNK), jnp.float32),
        pltpu.VMEM((2 * L * (L + 1),), jnp.float32),
        pltpu.VMEM((L,), jnp.float32),
        pltpu.SemaphoreType.DMA((2,)),
        pltpu.SemaphoreType.DMA,
    ],
)
def _glove_partials(cw_hbm, tw_hbm, x_hbm, wt_hbm, wc_hbm, wo_hbm, vb_hbm,
                    ub_hbm, out_hbm, idxc_v, idxt_v, x_v, wt_v,
                    crow2_v, trow2_v, cb2_v, tb2_v, st_v, acc_v, sem2, semp):
    wid = lax.axis_index("s") * 2 + lax.axis_index("c")
    base = wid * BPW

    pcopies = [
        pltpu.async_copy(cw_hbm.at[pl.ds(base, BPW)], idxc_v, semp),
        pltpu.async_copy(tw_hbm.at[pl.ds(base, BPW)], idxt_v, semp),
        pltpu.async_copy(x_hbm.at[pl.ds(base, BPW)], x_v, semp),
        pltpu.async_copy(wt_hbm.at[pl.ds(base, BPW)], wt_v, semp),
    ]
    for cp in pcopies:
        cp.wait()

    def fire(ci):
        par = lax.rem(ci, 2)
        co = ci * CHUNK
        return [
            pltpu.async_copy(wc_hbm.at[idxc_v.at[pl.ds(co, CHUNK)]],
                             crow2_v.at[par], sem2.at[par]),
            pltpu.async_copy(wo_hbm.at[idxt_v.at[pl.ds(co, CHUNK)]],
                             trow2_v.at[par], sem2.at[par]),
            pltpu.async_copy(vb_hbm.at[0].at[idxc_v.at[pl.ds(co, CHUNK)]],
                             cb2_v.at[par], sem2.at[par]),
            pltpu.async_copy(ub_hbm.at[0].at[idxt_v.at[pl.ds(co, CHUNK)]],
                             tb2_v.at[par], sem2.at[par]),
        ]

    def wait(ci):
        par = lax.rem(ci, 2)
        co = ci * CHUNK
        pltpu.make_async_copy(wc_hbm.at[idxc_v.at[pl.ds(co, CHUNK)]],
                              crow2_v.at[par], sem2.at[par]).wait()
        pltpu.make_async_copy(wo_hbm.at[idxt_v.at[pl.ds(co, CHUNK)]],
                              trow2_v.at[par], sem2.at[par]).wait()
        pltpu.make_async_copy(vb_hbm.at[0].at[idxc_v.at[pl.ds(co, CHUNK)]],
                              cb2_v.at[par], sem2.at[par]).wait()
        pltpu.make_async_copy(ub_hbm.at[0].at[idxt_v.at[pl.ds(co, CHUNK)]],
                              tb2_v.at[par], sem2.at[par]).wait()

    lane = lax.iota(jnp.int32, L)
    acc0 = jnp.zeros((L,), jnp.float32)

    fire(0)

    def chunk_body(ci, acc):
        par = lax.rem(ci, 2)
        co = ci * CHUNK

        @pl.when(ci < NCHUNK - 1)
        def _():
            fire(ci + 1)

        wait(ci)

        def group_body(g, acc):
            so = lax.rem(g, 2) * (L * (L + 1))
            for b in range(L):
                item = g * L + b
                sprod = (crow2_v[par, item, pl.ds(0, L)] *
                         trow2_v[par, item, pl.ds(0, L)])
                for k in range(1, KCH):
                    sprod = sprod + (crow2_v[par, item, pl.ds(k * L, L)] *
                                     trow2_v[par, item, pl.ds(k * L, L)])
                st_v[pl.ds(so + b * (L + 1), L)] = sprod
            row = lane * (L + 1) + so
            d = plsc.load_gather(st_v, [row])
            for j in range(1, L):
                d = d + plsc.load_gather(st_v, [row + j])
            gb = g * L
            r = (d + cb2_v[par, pl.ds(gb, L)] + tb2_v[par, pl.ds(gb, L)]
                 - x_v[pl.ds(co + gb, L)])
            return acc + wt_v[pl.ds(co + gb, L)] * r * r

        return lax.fori_loop(0, GROUPS, group_body, acc)

    acc = lax.fori_loop(0, NCHUNK, chunk_body, acc0)

    acc_v[...] = acc
    pltpu.sync_copy(acc_v, out_hbm.at[wid // (EMBED // L),
                                      pl.ds((wid % (EMBED // L)) * L, L)])


def _sum_body(x_ref, o_ref):
    o_ref[...] = jnp.sum(x_ref[...]).reshape(1, 1)


def _sum_partials(p):
    return pl.pallas_call(
        _sum_body,
        out_shape=jax.ShapeDtypeStruct((1, 1), jnp.float32),
    )(p)[0, 0]


def kernel(center_words, target_words, coocs, weighting, W_center, W_outside,
           v_bias, u_bias):
    cw = center_words.reshape(BATCH)
    tw = target_words.reshape(BATCH)
    x = coocs.reshape(BATCH)
    w = weighting.reshape(BATCH)
    partials = _glove_partials(cw, tw, x, w, W_center, W_outside,
                               v_bias.T, u_bias.T)
    return _sum_partials(partials)

# --- scband reference (transcript-rebuilt; emitter-appended) ---
"""Pipeline reference for scband-glo-ve-58420145160535 (READ-ONLY COPY).

The authoritative reference and input builder live on the scoring server;
editing this copy changes nothing except your own understanding.
"""

import jax, jax.numpy as jnp
import numpy as np

VOCAB = 100000
EMBED = 128
BATCH = 16384

def setup_inputs(seed: int = 0) -> dict:
    key = jax.random.key(seed)
    k1, k2, k3, k4, k5, k6, k7, k8 = jax.random.split(key, 8)
    center_words = jax.random.randint(k1, (BATCH, 1), 0, VOCAB, dtype=jnp.int64 if jax.config.jax_enable_x64 else jnp.int32).astype(jnp.int32)
    target_words = jax.random.randint(k2, (BATCH, 1), 0, VOCAB, dtype=jnp.int32)
    coocs = jax.random.uniform(k3, (BATCH, 1), dtype=jnp.float32)
    weighting = jax.random.uniform(k4, (BATCH, 1), dtype=jnp.float32)
    W_center = jax.random.normal(k5, (VOCAB, EMBED), dtype=jnp.float32)
    W_outside = jax.random.normal(k6, (VOCAB, EMBED), dtype=jnp.float32)
    v_bias = jax.random.normal(k7, (VOCAB, 1), dtype=jnp.float32)
    u_bias = jax.random.normal(k8, (VOCAB, 1), dtype=jnp.float32)
    return {"center_words": center_words, "target_words": target_words, "coocs": coocs, "weighting": weighting, "W_center": W_center, "W_outside": W_outside, "v_bias": v_bias, "u_bias": u_bias}

def reference(center_words, target_words, coocs, weighting, W_center, W_outside, v_bias, u_bias):
    # embedding lookups (gather)
    center_embeds = jnp.take(W_center, center_words, axis=0)      # [B, 1, E]
    target_embeds = jnp.take(W_outside, target_words, axis=0)     # [B, 1, E]
    center_bias = jnp.take(v_bias, center_words, axis=0).squeeze(1)  # [B, 1]
    target_bias = jnp.take(u_bias, target_words, axis=0).squeeze(1)  # [B, 1]
    # bmm: target_embeds [B,1,E] @ center_embeds^T [B,E,1] -> [B,1,1] -> squeeze(2) -> [B,1]
    inner_product = jnp.einsum('bqe,bke->bqk', target_embeds, center_embeds).squeeze(2)
    loss = weighting * jnp.power(inner_product + center_bias + target_bias - coocs, 2)
    return jnp.sum(loss)

if __name__ == "__main__":
    import jax
    _d = setup_inputs()
    print(jax.jit(kernel)(*tuple(_d.values())))

</pallas_src>

<mosaic_0001>
#map = affine_map<(d0, d1) -> (0)>
#map1 = affine_map<(d0, d1) -> (0, 0)>
module attributes {stable_mosaic.version = 14 : i64} {
  func.func @_glove_partials(%arg0: i32, %arg1: i32, %arg2: memref<16384xi32, #tpu.memory_space<hbm>>, %arg3: memref<16384xi32, #tpu.memory_space<hbm>>, %arg4: memref<16384xf32, #tpu.memory_space<hbm>>, %arg5: memref<16384xf32, #tpu.memory_space<hbm>>, %arg6: memref<100000x128xf32, #tpu.memory_space<hbm>>, %arg7: memref<100000x128xf32, #tpu.memory_space<hbm>>, %arg8: memref<1x100000xf32, #tpu.memory_space<hbm>>, %arg9: memref<1x100000xf32, #tpu.memory_space<hbm>>, %arg10: memref<4x128xf32, #tpu.memory_space<hbm>>, %arg11: memref<512xi32, #tpu.memory_space<vmem>>, %arg12: memref<512xi32, #tpu.memory_space<vmem>>, %arg13: memref<512xf32, #tpu.memory_space<vmem>>, %arg14: memref<512xf32, #tpu.memory_space<vmem>>, %arg15: memref<2x128x128xf32, #tpu.memory_space<vmem>>, %arg16: memref<2x128x128xf32, #tpu.memory_space<vmem>>, %arg17: memref<2x128xf32, #tpu.memory_space<vmem>>, %arg18: memref<2x128xf32, #tpu.memory_space<vmem>>, %arg19: memref<544xf32, #tpu.memory_space<vmem>>, %arg20: memref<16xf32, #tpu.memory_space<vmem>>, %arg21: memref<2x!tpu.dma_semaphore, #tpu.memory_space<semaphore_mem>>, %arg22: memref<!tpu.dma_semaphore, #tpu.memory_space<semaphore_mem>>) attributes {dimension_semantics = [#tpu.dimension_semantics<core_parallel>, #tpu.dimension_semantics<subcore_parallel>], iteration_bounds = array<i64: 2, 16>, scalar_prefetch = 0 : i64, scratch_operands = 12 : i64, tpu.core_type = #tpu.core_type<sc_vector_subcore>, window_params = [{transform_indices = #map}, {transform_indices = #map}, {transform_indices = #map}, {transform_indices = #map}, {transform_indices = #map1}, {transform_indices = #map1}, {transform_indices = #map1}, {transform_indices = #map1}, {transform_indices = #map1}]} {
    %mul3A = arith.constant 2 : i32
    %mul3A_0 = arith.muli %arg1, %mul3A : i32
    %add3A = arith.addi %mul3A_0, %arg0 : i32
    %mul3A_1 = arith.constant 512 : i32
    %mul3A_2 = arith.muli %add3A, %mul3A_1 : i32
    %dma_start3A = tpu.memref_slice %arg2[%mul3A_2] : memref<16384xi32, #tpu.memory_space<hbm>> -> memref<512xi32, #tpu.memory_space<hbm>>
    %dma_start3A_3 = tpu.memref_slice %arg2[%mul3A_2] : memref<16384xi32, #tpu.memory_space<hbm>> -> memref<512xi32, #tpu.memory_space<hbm>>
    tpu.enqueue_dma source(%dma_start3A_3 : memref<512xi32, #tpu.memory_space<hbm>>) target(%arg11 : memref<512xi32, #tpu.memory_space<vmem>>) target_semaphore(%arg22 : memref<!tpu.dma_semaphore, #tpu.memory_space<semaphore_mem>>)
    %dma_start3A_4 = tpu.memref_slice %arg3[%mul3A_2] : memref<16384xi32, #tpu.memory_space<hbm>> -> memref<512xi32, #tpu.memory_space<hbm>>
    %dma_start3A_5 = tpu.memref_slice %arg3[%mul3A_2] : memref<16384xi32, #tpu.memory_space<hbm>> -> memref<512xi32, #tpu.memory_space<hbm>>
    tpu.enqueue_dma source(%dma_start3A_5 : memref<512xi32, #tpu.memory_space<hbm>>) target(%arg12 : memref<512xi32, #tpu.memory_space<vmem>>) target_semaphore(%arg22 : memref<!tpu.dma_semaphore, #tpu.memory_space<semaphore_mem>>)
    %dma_start3A_6 = tpu.memref_slice %arg4[%mul3A_2] : memref<16384xf32, #tpu.memory_space<hbm>> -> memref<512xf32, #tpu.memory_space<hbm>>
    %dma_start3A_7 = tpu.memref_slice %arg4[%mul3A_2] : memref<16384xf32, #tpu.memory_space<hbm>> -> memref<512xf32, #tpu.memory_space<hbm>>
    tpu.enqueue_dma source(%dma_start3A_7 : memref<512xf32, #tpu.memory_space<hbm>>) target(%arg13 : memref<512xf32, #tpu.memory_space<vmem>>) target_semaphore(%arg22 : memref<!tpu.dma_semaphore, #tpu.memory_space<semaphore_mem>>)
    %dma_start3A_8 = tpu.memref_slice %arg5[%mul3A_2] : memref<16384xf32, #tpu.memory_space<hbm>> -> memref<512xf32, #tpu.memory_space<hbm>>
    %dma_start3A_9 = tpu.memref_slice %arg5[%mul3A_2] : memref<16384xf32, #tpu.memory_space<hbm>> -> memref<512xf32, #tpu.memory_space<hbm>>
    tpu.enqueue_dma source(%dma_start3A_9 : memref<512xf32, #tpu.memory_space<hbm>>) target(%arg14 : memref<512xf32, #tpu.memory_space<vmem>>) target_semaphore(%arg22 : memref<!tpu.dma_semaphore, #tpu.memory_space<semaphore_mem>>)
    %dma_wait3A = tpu.memref_slice %arg2[%mul3A_2] : memref<16384xi32, #tpu.memory_space<hbm>> -> memref<512xi32, #tpu.memory_space<hbm>>
    %dma_wait3A_10 = tpu.memref_slice %arg2[%mul3A_2] : memref<16384xi32, #tpu.memory_space<hbm>> -> memref<512xi32, #tpu.memory_space<hbm>>
    tpu.wait_dma2 semaphore(%arg22 : memref<!tpu.dma_semaphore, #tpu.memory_space<semaphore_mem>>) src(%dma_wait3A_10 : memref<512xi32, #tpu.memory_space<hbm>>) dst(%arg11 : memref<512xi32, #tpu.memory_space<vmem>>)
    %dma_wait3A_11 = tpu.memref_slice %arg3[%mul3A_2] : memref<16384xi32, #tpu.memory_space<hbm>> -> memref<512xi32, #tpu.memory_space<hbm>>
    %dma_wait3A_12 = tpu.memref_slice %arg3[%mul3A_2] : memref<16384xi32, #tpu.memory_space<hbm>> -> memref<512xi32, #tpu.memory_space<hbm>>
    tpu.wait_dma2 semaphore(%arg22 : memref<!tpu.dma_semaphore, #tpu.memory_space<semaphore_mem>>) src(%dma_wait3A_12 : memref<512xi32, #tpu.memory_space<hbm>>) dst(%arg12 : memref<512xi32, #tpu.memory_space<vmem>>)
    %dma_wait3A_13 = tpu.memref_slice %arg4[%mul3A_2] : memref<16384xf32, #tpu.memory_space<hbm>> -> memref<512xf32, #tpu.memory_space<hbm>>
    %dma_wait3A_14 = tpu.memref_slice %arg4[%mul3A_2] : memref<16384xf32, #tpu.memory_space<hbm>> -> memref<512xf32, #tpu.memory_space<hbm>>
    tpu.wait_dma2 semaphore(%arg22 : memref<!tpu.dma_semaphore, #tpu.memory_space<semaphore_mem>>) src(%dma_wait3A_14 : memref<512xf32, #tpu.memory_space<hbm>>) dst(%arg13 : memref<512xf32, #tpu.memory_space<vmem>>)
    %dma_wait3A_15 = tpu.memref_slice %arg5[%mul3A_2] : memref<16384xf32, #tpu.memory_space<hbm>> -> memref<512xf32, #tpu.memory_space<hbm>>
    %dma_wait3A_16 = tpu.memref_slice %arg5[%mul3A_2] : memref<16384xf32, #tpu.memory_space<hbm>> -> memref<512xf32, #tpu.memory_space<hbm>>
    tpu.wait_dma2 semaphore(%arg22 : memref<!tpu.dma_semaphore, #tpu.memory_space<semaphore_mem>>) src(%dma_wait3A_16 : memref<512xf32, #tpu.memory_space<hbm>>) dst(%arg14 : memref<512xf32, #tpu.memory_space<vmem>>)
    %iota3A = tpu.iota {dimensions = array<i32: 0>} : vector<16xi32>
    %broadcast_in_dim3A = arith.constant 0.000000e+00 : f32
    %broadcast_in_dim3A_17 = vector.broadcast %broadcast_in_dim3A : f32 to vector<16xf32>
    %rem3A = arith.constant 0 : i32
    %rem3A_18 = arith.constant 2 : i32
    %rem3A_19 = arith.remsi %rem3A, %rem3A_18 : i32
    %dma_start3A_20 = arith.constant 0 : i32
    %dma_start3A_21 = arith.constant 0 : i32
    %dma_start3A_22 = tpu.memref_slice %arg15[%rem3A_19, %dma_start3A_20, %dma_start3A_21] : memref<2x128x128xf32, #tpu.memory_space<vmem>> -> memref<1x128x128xf32, #tpu.memory_space<vmem>>
    %dma_start3A_23 = tpu.memref_squeeze %dma_start3A_22 : memref<1x128x128xf32, #tpu.memory_space<vmem>> -> memref<128x128xf32, #tpu.memory_space<vmem>>
    %dma_start3A_24 = arith.constant 0 : i32
    %dma_start3A_25 = tpu.memref_slice %arg11[%dma_start3A_24] : memref<512xi32, #tpu.memory_space<vmem>> -> memref<128xi32, #tpu.memory_space<vmem>>
    %dma_start3A_26 = arith.constant 0 : i32
    %dma_start3A_27 = arith.constant 0 : i32
    %dma_start3A_28 = tpu.memref_slice %arg6[%dma_start3A_26, %dma_start3A_27] : memref<100000x128xf32, #tpu.memory_space<hbm>> -> memref<100000x128xf32, #tpu.memory_space<hbm>>
    %dma_start3A_29 = tpu.memref_slice %arg21[%rem3A_19] : memref<2x!tpu.dma_semaphore, #tpu.memory_space<semaphore_mem>> -> memref<1x!tpu.dma_semaphore, #tpu.memory_space<semaphore_mem>>
    %dma_start3A_30 = tpu.memref_squeeze %dma_start3A_29 : memref<1x!tpu.dma_semaphore, #tpu.memory_space<semaphore_mem>> -> memref<!tpu.dma_semaphore, #tpu.memory_space<semaphore_mem>>
    tpu.enqueue_indirect_dma source(%dma_start3A_28 : memref<100000x128xf32, #tpu.memory_space<hbm>>) target(%dma_start3A_23 : memref<128x128xf32, #tpu.memory_space<vmem>>) offsets(%dma_start3A_25 : memref<128xi32, #tpu.memory_space<vmem>>) semaphore(%dma_start3A_30 : memref<!tpu.dma_semaphore, #tpu.memory_space<semaphore_mem>>)
    %dma_start3A_31 = arith.constant 0 : i32
    %dma_start3A_32 = arith.constant 0 : i32
    %dma_start3A_33 = tpu.memref_slice %arg16[%rem3A_19, %dma_start3A_31, %dma_start3A_32] : memref<2x128x128xf32, #tpu.memory_space<vmem>> -> memref<1x128x128xf32, #tpu.memory_space<vmem>>
    %dma_start3A_34 = tpu.memref_squeeze %dma_start3A_33 : memref<1x128x128xf32, #tpu.memory_space<vmem>> -> memref<128x128xf32, #tpu.memory_space<vmem>>
    %dma_start3A_35 = arith.constant 0 : i32
    %dma_start3A_36 = tpu.memref_slice %arg12[%dma_start3A_35] : memref<512xi32, #tpu.memory_space<vmem>> -> memref<128xi32, #tpu.memory_space<vmem>>
    %dma_start3A_37 = arith.constant 0 : i32
    %dma_start3A_38 = arith.constant 0 : i32
    %dma_start3A_39 = tpu.memref_slice %arg7[%dma_start3A_37, %dma_start3A_38] : memref<100000x128xf32, #tpu.memory_space<hbm>> -> memref<100000x128xf32, #tpu.memory_space<hbm>>
    %dma_start3A_40 = tpu.memref_slice %arg21[%rem3A_19] : memref<2x!tpu.dma_semaphore, #tpu.memory_space<semaphore_mem>> -> memref<1x!tpu.dma_semaphore, #tpu.memory_space<semaphore_mem>>
    %dma_start3A_41 = tpu.memref_squeeze %dma_start3A_40 : memref<1x!tpu.dma_semaphore, #tpu.memory_space<semaphore_mem>> -> memref<!tpu.dma_semaphore, #tpu.memory_space<semaphore_mem>>
    tpu.enqueue_indirect_dma source(%dma_start3A_39 : memref<100000x128xf32, #tpu.memory_space<hbm>>) target(%dma_start3A_34 : memref<128x128xf32, #tpu.memory_space<vmem>>) offsets(%dma_start3A_36 : memref<128xi32, #tpu.memory_space<vmem>>) semaphore(%dma_start3A_41 : memref<!tpu.dma_semaphore, #tpu.memory_space<semaphore_mem>>)
    %dma_start3A_42 = arith.constant 0 : i32
    %dma_start3A_43 = arith.constant 0 : i32
    %dma_start3A_44 = tpu.memref_slice %arg17[%rem3A_19, %dma_start3A_43] : memref<2x128xf32, #tpu.memory_space<vmem>> -> memref<1x128xf32, #tpu.memory_space<vmem>>
    %dma_start3A_45 = tpu.memref_squeeze %dma_start3A_44 : memref<1x128xf32, #tpu.memory_space<vmem>> -> memref<128xf32, #tpu.memory_space<vmem>>
    %dma_start3A_46 = arith.constant 0 : i32
    %dma_start3A_47 = tpu.memref_slice %arg11[%dma_start3A_46] : memref<512xi32, #tpu.memory_space<vmem>> -> memref<128xi32, #tpu.memory_space<vmem>>
    %dma_start3A_48 = arith.constant 0 : i32
    %dma_start3A_49 = tpu.memref_slice %arg8[%dma_start3A_42, %dma_start3A_48] : memref<1x100000xf32, #tpu.memory_space<hbm>> -> memref<1x100000xf32, #tpu.memory_space<hbm>>
    %dma_start3A_50 = tpu.memref_squeeze %dma_start3A_49 : memref<1x100000xf32, #tpu.memory_space<hbm>> -> memref<100000xf32, #tpu.memory_space<hbm>>
    %dma_start3A_51 = arith.constant 0 : i32
    %dma_start3A_52 = tpu.memref_slice %dma_start3A_50[%dma_start3A_51] : memref<100000xf32, #tpu.memory_space<hbm>> -> memref<100000xf32, #tpu.memory_space<hbm>>
    %dma_start3A_53 = tpu.memref_slice %arg21[%rem3A_19] : memref<2x!tpu.dma_semaphore, #tpu.memory_space<semaphore_mem>> -> memref<1x!tpu.dma_semaphore, #tpu.memory_space<semaphore_mem>>
    %dma_start3A_54 = tpu.memref_squeeze %dma_start3A_53 : memref<1x!tpu.dma_semaphore, #tpu.memory_space<semaphore_mem>> -> memref<!tpu.dma_semaphore, #tpu.memory_space<semaphore_mem>>
    tpu.enqueue_indirect_dma source(%dma_start3A_52 : memref<100000xf32, #tpu.memory_space<hbm>>) target(%dma_start3A_45 : memref<128xf32, #tpu.memory_space<vmem>>) offsets(%dma_start3A_47 : memref<128xi32, #tpu.memory_space<vmem>>) semaphore(%dma_start3A_54 : memref<!tpu.dma_semaphore, #tpu.memory_space<semaphore_mem>>)
    %dma_start3A_55 = arith.constant 0 : i32
    %dma_start3A_56 = arith.constant 0 : i32
    %dma_start3A_57 = tpu.memref_slice %arg18[%rem3A_19, %dma_start3A_56] : memref<2x128xf32, #tpu.memory_space<vmem>> -> memref<1x128xf32, #tpu.memory_space<vmem>>
    %dma_start3A_58 = tpu.memref_squeeze %dma_start3A_57 : memref<1x128xf32, #tpu.memory_space<vmem>> -> memref<128xf32, #tpu.memory_space<vmem>>
    %dma_start3A_59 = arith.constant 0 : i32
    %dma_start3A_60 = tpu.memref_slice %arg12[%dma_start3A_59] : memref<512xi32, #tpu.memory_space<vmem>> -> memref<128xi32, #tpu.memory_space<vmem>>
    %dma_start3A_61 = arith.constant 0 : i32
    %dma_start3A_62 = tpu.memref_slice %arg9[%dma_start3A_55, %dma_start3A_61] : memref<1x100000xf32, #tpu.memory_space<hbm>> -> memref<1x100000xf32, #tpu.memory_space<hbm>>
    %dma_start3A_63 = tpu.memref_squeeze %dma_start3A_62 : memref<1x100000xf32, #tpu.memory_space<hbm>> -> memref<100000xf32, #tpu.memory_space<hbm>>
    %dma_start3A_64 = arith.constant 0 : i32
    %dma_start3A_65 = tpu.memref_slice %dma_start3A_63[%dma_start3A_64] : memref<100000xf32, #tpu.memory_space<hbm>> -> memref<100000xf32, #tpu.memory_space<hbm>>
    %dma_start3A_66 = tpu.memref_slice %arg21[%rem3A_19] : memref<2x!tpu.dma_semaphore, #tpu.memory_space<semaphore_mem>> -> memref<1x!tpu.dma_semaphore, #tpu.memory_space<semaphore_mem>>
    %dma_start3A_67 = tpu.memref_squeeze %dma_start3A_66 : memref<1x!tpu.dma_semaphore, #tpu.memory_space<semaphore_mem>> -> memref<!tpu.dma_semaphore, #tpu.memory_space<semaphore_mem>>
    tpu.enqueue_indirect_dma source(%dma_start3A_65 : memref<100000xf32, #tpu.memory_space<hbm>>) target(%dma_start3A_58 : memref<128xf32, #tpu.memory_space<vmem>>) offsets(%dma_start3A_60 : memref<128xi32, #tpu.memory_space<vmem>>) semaphore(%dma_start3A_67 : memref<!tpu.dma_semaphore, #tpu.memory_space<semaphore_mem>>)
    %scan3A = arith.constant 0 : i32
    %scan3A_68 = arith.constant 4 : i32
    %scan3A_69 = arith.addi %scan3A, %scan3A_68 : i32
    %scan3A_70 = arith.constant 1 : i32
    %scan3A_71 = scf.for %scan3A_107 = %scan3A to %scan3A_69 step %scan3A_70 iter_args(%scan3A_108 = %broadcast_in_dim3A_17) -> (vector<16xf32>)  : i32 {
      %rem3A_109 = arith.constant 2 : i32
      %rem3A_110 = arith.remsi %scan3A_107, %rem3A_109 : i32
      %mul3A_111 = arith.constant 128 : i32
      %mul3A_112 = arith.muli %scan3A_107, %mul3A_111 : i32
      %lt3A_113 = arith.constant 3 : i32
      %lt3A_114 = arith.cmpi slt, %scan3A_107, %lt3A_113 : i32
      %convert_element_type3A = arith.extui %lt3A_114 : i1 to i32
      %cond3A = arith.constant 0 : i32
      %cond3A_115 = arith.cmpi ne, %convert_element_type3A, %cond3A : i32
      scf.if %cond3A_115 {
        %add3A_170 = arith.constant 1 : i32
        %add3A_171 = arith.addi %scan3A_107, %add3A_170 : i32
        %rem3A_172 = arith.constant 2 : i32
        %rem3A_173 = arith.remsi %add3A_171, %rem3A_172 : i32
        %mul3A_174 = arith.constant 128 : i32
        %mul3A_175 = arith.muli %add3A_171, %mul3A_174 : i32
        %dma_start3A_176 = arith.constant 0 : i32
        %dma_start3A_177 = arith.constant 0 : i32
        %dma_start3A_178 = tpu.memref_slice %arg15[%rem3A_173, %dma_start3A_176, %dma_start3A_177] : memref<2x128x128xf32, #tpu.memory_space<vmem>> -> memref<1x128x128xf32, #tpu.memory_space<vmem>>
        %dma_start3A_179 = tpu.memref_squeeze %dma_start3A_178 : memref<1x128x128xf32, #tpu.memory_space<vmem>> -> memref<128x128xf32, #tpu.memory_space<vmem>>
        %dma_start3A_180 = tpu.memref_slice %arg11[%mul3A_175] : memref<512xi32, #tpu.memory_space<vmem>> -> memref<128xi32, #tpu.memory_space<vmem>>
        %dma_start3A_181 = arith.constant 0 : i32
        %dma_start3A_182 = arith.constant 0 : i32
        %dma_start3A_183 = tpu.memref_slice %arg6[%dma_start3A_181, %dma_start3A_182] : memref<100000x128xf32, #tpu.memory_space<hbm>> -> memref<100000x128xf32, #tpu.memory_space<hbm>>
        %dma_start3A_184 = tpu.memref_slice %arg21[%rem3A_173] : memref<2x!tpu.dma_semaphore, #tpu.memory_space<semaphore_mem>> -> memref<1x!tpu.dma_semaphore, #tpu.memory_space<semaphore_mem>>
        %dma_start3A_185 = tpu.memref_squeeze %dma_start3A_184 : memref<1x!tpu.dma_semaphore, #tpu.memory_space<semaphore_mem>> -> memref<!tpu.dma_semaphore, #tpu.memory_space<semaphore_mem>>
        tpu.enqueue_indirect_dma source(%dma_start3A_183 : memref<100000x128xf32, #tpu.memory_space<hbm>>) target(%dma_start3A_179 : memref<128x128xf32, #tpu.memory_space<vmem>>) offsets(%dma_start3A_180 : memref<128xi32, #tpu.memory_space<vmem>>) semaphore(%dma_start3A_185 : memref<!tpu.dma_semaphore, #tpu.memory_space<semaphore_mem>>)
        %dma_start3A_186 = arith.constant 0 : i32
        %dma_start3A_187 = arith.constant 0 : i32
        %dma_start3A_188 = tpu.memref_slice %arg16[%rem3A_173, %dma_start3A_186, %dma_start3A_187] : memref<2x128x128xf32, #tpu.memory_space<vmem>> -> memref<1x128x128xf32, #tpu.memory_space<vmem>>
        %dma_start3A_189 = tpu.memref_squeeze %dma_start3A_188 : memref<1x128x128xf32, #tpu.memory_space<vmem>> -> memref<128x128xf32, #tpu.memory_space<vmem>>
        %dma_start3A_190 = tpu.memref_slice %arg12[%mul3A_175] : memref<512xi32, #tpu.memory_space<vmem>> -> memref<128xi32, #tpu.memory_space<vmem>>
        %dma_start3A_191 = arith.constant 0 : i32
        %dma_start3A_192 = arith.constant 0 : i32
        %dma_start3A_193 = tpu.memref_slice %arg7[%dma_start3A_191, %dma_start3A_192] : memref<100000x128xf32, #tpu.memory_space<hbm>> -> memref<100000x128xf32, #tpu.memory_space<hbm>>
        %dma_start3A_194 = tpu.memref_slice %arg21[%rem3A_173] : memref<2x!tpu.dma_semaphore, #tpu.memory_space<semaphore_mem>> -> memref<1x!tpu.dma_semaphore, #tpu.memory_space<semaphore_mem>>
        %dma_start3A_195 = tpu.memref_squeeze %dma_start3A_194 : memref<1x!tpu.dma_semaphore, #tpu.memory_space<semaphore_mem>> -> memref<!tpu.dma_semaphore, #tpu.memory_space<semaphore_mem>>
        tpu.enqueue_indirect_dma source(%dma_start3A_193 : memref<100000x128xf32, #tpu.memory_space<hbm>>) target(%dma_start3A_189 : memref<128x128xf32, #tpu.memory_space<vmem>>) offsets(%dma_start3A_190 : memref<128xi32, #tpu.memory_space<vmem>>) semaphore(%dma_start3A_195 : memref<!tpu.dma_semaphore, #tpu.memory_space<semaphore_mem>>)
        %dma_start3A_196 = arith.constant 0 : i32
        %dma_start3A_197 = arith.constant 0 : i32
        %dma_start3A_198 = tpu.memref_slice %arg17[%rem3A_173, %dma_start3A_197] : memref<2x128xf32, #tpu.memory_space<vmem>> -> memref<1x128xf32, #tpu.memory_space<vmem>>
        %dma_start3A_199 = tpu.memref_squeeze %dma_start3A_198 : memref<1x128xf32, #tpu.memory_space<vmem>> -> memref<128xf32, #tpu.memory_space<vmem>>
        %dma_start3A_200 = tpu.memref_slice %arg11[%mul3A_175] : memref<512xi32, #tpu.memory_space<vmem>> -> memref<128xi32, #tpu.memory_space<vmem>>
        %dma_start3A_201 = arith.constant 0 : i32
        %dma_start3A_202 = tpu.memref_slice %arg8[%dma_start3A_196, %dma_start3A_201] : memref<1x100000xf32, #tpu.memory_space<hbm>> -> memref<1x100000xf32, #tpu.memory_space<hbm>>
        %dma_start3A_203 = tpu.memref_squeeze %dma_start3A_202 : memref<1x100000xf32, #tpu.memory_space<hbm>> -> memref<100000xf32, #tpu.memory_space<hbm>>
        %dma_start3A_204 = arith.constant 0 : i32
        %dma_start3A_205 = tpu.memref_slice %dma_start3A_203[%dma_start3A_204] : memref<100000xf32, #tpu.memory_space<hbm>> -> memref<100000xf32, #tpu.memory_space<hbm>>
        %dma_start3A_206 = tpu.memref_slice %arg21[%rem3A_173] : memref<2x!tpu.dma_semaphore, #tpu.memory_space<semaphore_mem>> -> memref<1x!tpu.dma_semaphore, #tpu.memory_space<semaphore_mem>>
        %dma_start3A_207 = tpu.memref_squeeze %dma_start3A_206 : memref<1x!tpu.dma_semaphore, #tpu.memory_space<semaphore_mem>> -> memref<!tpu.dma_semaphore, #tpu.memory_space<semaphore_mem>>
        tpu.enqueue_indirect_dma source(%dma_start3A_205 : memref<100000xf32, #tpu.memory_space<hbm>>) target(%dma_start3A_199 : memref<128xf32, #tpu.memory_space<vmem>>) offsets(%dma_start3A_200 : memref<128xi32, #tpu.memory_space<vmem>>) semaphore(%dma_start3A_207 : memref<!tpu.dma_semaphore, #tpu.memory_space<semaphore_mem>>)
        %dma_start3A_208 = arith.constant 0 : i32
        %dma_start3A_209 = arith.constant 0 : i32
        %dma_start3A_210 = tpu.memref_slice %arg18[%rem3A_173, %dma_start3A_209] : memref<2x128xf32, #tpu.memory_space<vmem>> -> memref<1x128xf32, #tpu.memory_space<vmem>>
        %dma_start3A_211 = tpu.memref_squeeze %dma_start3A_210 : memref<1x128xf32, #tpu.memory_space<vmem>> -> memref<128xf32, #tpu.memory_space<vmem>>
        %dma_start3A_212 = tpu.memref_slice %arg12[%mul3A_175] : memref<512xi32, #tpu.memory_space<vmem>> -> memref<128xi32, #tpu.memory_space<vmem>>
        %dma_start3A_213 = arith.constant 0 : i32
        %dma_start3A_214 = tpu.memref_slice %arg9[%dma_start3A_208, %dma_start3A_213] : memref<1x100000xf32, #tpu.memory_space<hbm>> -> memref<1x100000xf32, #tpu.memory_space<hbm>>
        %dma_start3A_215 = tpu.memref_squeeze %dma_start3A_214 : memref<1x100000xf32, #tpu.memory_space<hbm>> -> memref<100000xf32, #tpu.memory_space<hbm>>
        %dma_start3A_216 = arith.constant 0 : i32
        %dma_start3A_217 = tpu.memref_slice %dma_start3A_215[%dma_start3A_216] : memref<100000xf32, #tpu.memory_space<hbm>> -> memref<100000xf32, #tpu.memory_space<hbm>>
        %dma_start3A_218 = tpu.memref_slice %arg21[%rem3A_173] : memref<2x!tpu.dma_semaphore, #tpu.memory_space<semaphore_mem>> -> memref<1x!tpu.dma_semaphore, #tpu.memory_space<semaphore_mem>>
        %dma_start3A_219 = tpu.memref_squeeze %dma_start3A_218 : memref<1x!tpu.dma_semaphore, #tpu.memory_space<semaphore_mem>> -> memref<!tpu.dma_semaphore, #tpu.memory_space<semaphore_mem>>
        tpu.enqueue_indirect_dma source(%dma_start3A_217 : memref<100000xf32, #tpu.memory_space<hbm>>) target(%dma_start3A_211 : memref<128xf32, #tpu.memory_space<vmem>>) offsets(%dma_start3A_212 : memref<128xi32, #tpu.memory_space<vmem>>) semaphore(%dma_start3A_219 : memref<!tpu.dma_semaphore, #tpu.memory_space<semaphore_mem>>)
      } else {
      }
      %rem3A_116 = arith.constant 2 : i32
      %rem3A_117 = arith.remsi %scan3A_107, %rem3A_116 : i32
      %mul3A_118 = arith.constant 128 : i32
      %mul3A_119 = arith.muli %scan3A_107, %mul3A_118 : i32
      %dma_wait3A_120 = arith.constant 0 : i32
      %dma_wait3A_121 = arith.constant 0 : i32
      %dma_wait3A_122 = tpu.memref_slice %arg15[%rem3A_117, %dma_wait3A_120, %dma_wait3A_121] : memref<2x128x128xf32, #tpu.memory_space<vmem>> -> memref<1x128x128xf32, #tpu.memory_space<vmem>>
      %dma_wait3A_123 = tpu.memref_squeeze %dma_wait3A_122 : memref<1x128x128xf32, #tpu.memory_space<vmem>> -> memref<128x128xf32, #tpu.memory_space<vmem>>
      %dma_wait3A_124 = tpu.memref_slice %arg11[%mul3A_119] : memref<512xi32, #tpu.memory_space<vmem>> -> memref<128xi32, #tpu.memory_space<vmem>>
      %dma_wait3A_125 = arith.constant 0 : i32
      %dma_wait3A_126 = arith.constant 0 : i32
      %dma_wait3A_127 = tpu.memref_slice %arg6[%dma_wait3A_125, %dma_wait3A_126] : memref<100000x128xf32, #tpu.memory_space<hbm>> -> memref<100000x128xf32, #tpu.memory_space<hbm>>
      %dma_wait3A_128 = tpu.memref_slice %arg21[%rem3A_117] : memref<2x!tpu.dma_semaphore, #tpu.memory_space<semaphore_mem>> -> memref<1x!tpu.dma_semaphore, #tpu.memory_space<semaphore_mem>>
      %dma_wait3A_129 = tpu.memref_squeeze %dma_wait3A_128 : memref<1x!tpu.dma_semaphore, #tpu.memory_space<semaphore_mem>> -> memref<!tpu.dma_semaphore, #tpu.memory_space<semaphore_mem>>
      tpu.wait_indirect_dma semaphore(%dma_wait3A_129 : memref<!tpu.dma_semaphore, #tpu.memory_space<semaphore_mem>>) src(%dma_wait3A_127 : memref<100000x128xf32, #tpu.memory_space<hbm>>) dst(%dma_wait3A_123 : memref<128x128xf32, #tpu.memory_space<vmem>>)
      %dma_wait3A_130 = arith.constant 0 : i32
      %dma_wait3A_131 = arith.constant 0 : i32
      %dma_wait3A_132 = tpu.memref_slice %arg16[%rem3A_117, %dma_wait3A_130, %dma_wait3A_131] : memref<2x128x128xf32, #tpu.memory_space<vmem>> -> memref<1x128x128xf32, #tpu.memory_space<vmem>>
      %dma_wait3A_133 = tpu.memref_squeeze %dma_wait3A_132 : memref<1x128x128xf32, #tpu.memory_space<vmem>> -> memref<128x128xf32, #tpu.memory_space<vmem>>
      %dma_wait3A_134 = tpu.memref_slice %arg12[%mul3A_119] : memref<512xi32, #tpu.memory_space<vmem>> -> memref<128xi32, #tpu.memory_space<vmem>>
      %dma_wait3A_135 = arith.constant 0 : i32
      %dma_wait3A_136 = arith.constant 0 : i32
      %dma_wait3A_137 = tpu.memref_slice %arg7[%dma_wait3A_135, %dma_wait3A_136] : memref<100000x128xf32, #tpu.memory_space<hbm>> -> memref<100000x128xf32, #tpu.memory_space<hbm>>
      %dma_wait3A_138 = tpu.memref_slice %arg21[%rem3A_117] : memref<2x!tpu.dma_semaphore, #tpu.memory_space<semaphore_mem>> -> memref<1x!tpu.dma_semaphore, #tpu.memory_space<semaphore_mem>>
      %dma_wait3A_139 = tpu.memref_squeeze %dma_wait3A_138 : memref<1x!tpu.dma_semaphore, #tpu.memory_space<semaphore_mem>> -> memref<!tpu.dma_semaphore, #tpu.memory_space<semaphore_mem>>
      tpu.wait_indirect_dma semaphore(%dma_wait3A_139 : memref<!tpu.dma_semaphore, #tpu.memory_space<semaphore_mem>>) src(%dma_wait3A_137 : memref<100000x128xf32, #tpu.memory_space<hbm>>) dst(%dma_wait3A_133 : memref<128x128xf32, #tpu.memory_space<vmem>>)
      %dma_wait3A_140 = arith.constant 0 : i32
      %dma_wait3A_141 = arith.constant 0 : i32
      %dma_wait3A_142 = tpu.memref_slice %arg17[%rem3A_117, %dma_wait3A_141] : memref<2x128xf32, #tpu.memory_space<vmem>> -> memref<1x128xf32, #tpu.memory_space<vmem>>
      %dma_wait3A_143 = tpu.memref_squeeze %dma_wait3A_142 : memref<1x128xf32, #tpu.memory_space<vmem>> -> memref<128xf32, #tpu.memory_space<vmem>>
      %dma_wait3A_144 = tpu.memref_slice %arg11[%mul3A_119] : memref<512xi32, #tpu.memory_space<vmem>> -> memref<128xi32, #tpu.memory_space<vmem>>
      %dma_wait3A_145 = arith.constant 0 : i32
      %dma_wait3A_146 = tpu.memref_slice %arg8[%dma_wait3A_140, %dma_wait3A_145] : memref<1x100000xf32, #tpu.memory_space<hbm>> -> memref<1x100000xf32, #tpu.memory_space<hbm>>
      %dma_wait3A_147 = tpu.memref_squeeze %dma_wait3A_146 : memref<1x100000xf32, #tpu.memory_space<hbm>> -> memref<100000xf32, #tpu.memory_space<hbm>>
      %dma_wait3A_148 = arith.constant 0 : i32
      %dma_wait3A_149 = tpu.memref_slice %dma_wait3A_147[%dma_wait3A_148] : memref<100000xf32, #tpu.memory_space<hbm>> -> memref<100000xf32, #tpu.memory_space<hbm>>
      %dma_wait3A_150 = tpu.memref_slice %arg21[%rem3A_117] : memref<2x!tpu.dma_semaphore, #tpu.memory_space<semaphore_mem>> -> memref<1x!tpu.dma_semaphore, #tpu.memory_space<semaphore_mem>>
      %dma_wait3A_151 = tpu.memref_squeeze %dma_wait3A_150 : memref<1x!tpu.dma_semaphore, #tpu.memory_space<semaphore_mem>> -> memref<!tpu.dma_semaphore, #tpu.memory_space<semaphore_mem>>
      tpu.wait_indirect_dma semaphore(%dma_wait3A_151 : memref<!tpu.dma_semaphore, #tpu.memory_space<semaphore_mem>>) src(%dma_wait3A_149 : memref<100000xf32, #tpu.memory_space<hbm>>) dst(%dma_wait3A_143 : memref<128xf32, #tpu.memory_space<vmem>>)
      %dma_wait3A_152 = arith.constant 0 : i32
      %dma_wait3A_153 = arith.constant 0 : i32
      %dma_wait3A_154 = tpu.memref_slice %arg18[%rem3A_117, %dma_wait3A_153] : memref<2x128xf32, #tpu.memory_space<vmem>> -> memref<1x128xf32, #tpu.memory_space<vmem>>
      %dma_wait3A_155 = tpu.memref_squeeze %dma_wait3A_154 : memref<1x128xf32, #tpu.memory_space<vmem>> -> memref<128xf32, #tpu.memory_space<vmem>>
      %dma_wait3A_156 = tpu.memref_slice %arg12[%mul3A_119] : memref<512xi32, #tpu.memory_space<vmem>> -> memref<128xi32, #tpu.memory_space<vmem>>
      %dma_wait3A_157 = arith.constant 0 : i32
      %dma_wait3A_158 = tpu.memref_slice %arg9[%dma_wait3A_152, %dma_wait3A_157] : memref<1x100000xf32, #tpu.memory_space<hbm>> -> memref<1x100000xf32, #tpu.memory_space<hbm>>
      %dma_wait3A_159 = tpu.memref_squeeze %dma_wait3A_158 : memref<1x100000xf32, #tpu.memory_space<hbm>> -> memref<100000xf32, #tpu.memory_space<hbm>>
      %dma_wait3A_160 = arith.constant 0 : i32
      %dma_wait3A_161 = tpu.memref_slice %dma_wait3A_159[%dma_wait3A_160] : memref<100000xf32, #tpu.memory_space<hbm>> -> memref<100000xf32, #tpu.memory_space<hbm>>
      %dma_wait3A_162 = tpu.memref_slice %arg21[%rem3A_117] : memref<2x!tpu.dma_semaphore, #tpu.memory_space<semaphore_mem>> -> memref<1x!tpu.dma_semaphore, #tpu.memory_space<semaphore_mem>>
      %dma_wait3A_163 = tpu.memref_squeeze %dma_wait3A_162 : memref<1x!tpu.dma_semaphore, #tpu.memory_space<semaphore_mem>> -> memref<!tpu.dma_semaphore, #tpu.memory_space<semaphore_mem>>
      tpu.wait_indirect_dma semaphore(%dma_wait3A_163 : memref<!tpu.dma_semaphore, #tpu.memory_space<semaphore_mem>>) src(%dma_wait3A_161 : memref<100000xf32, #tpu.memory_space<hbm>>) dst(%dma_wait3A_155 : memref<128xf32, #tpu.memory_space<vmem>>)
      %scan3A_164 = arith.constant 0 : i32
      %scan3A_165 = arith.constant 8 : i32
      %scan3A_166 = arith.addi %scan3A_164, %scan3A_165 : i32
      %scan3A_167 = arith.constant 1 : i32
      %scan3A_168 = scf.for %scan3A_170 = %scan3A_164 to %scan3A_166 step %scan3A_167 iter_args(%scan3A_171 = %scan3A_108) -> (vector<16xf32>)  : i32 {
        %rem3A_172 = arith.constant 2 : i32
        %rem3A_173 = arith.remsi %scan3A_170, %rem3A_172 : i32
        %mul3A_174 = arith.constant 272 : i32
        %mul3A_175 = arith.muli %rem3A_173, %mul3A_174 : i32
        %mul3A_176 = arith.constant 16 : i32
        %mul3A_177 = arith.muli %scan3A_170, %mul3A_176 : i32
        %add3A_178 = arith.constant 0 : i32
        %add3A_179 = arith.addi %mul3A_177, %add3A_178 : i32
        %get3A = arith.index_cast %rem3A_110 : i32 to index
        %get3A_180 = arith.index_cast %add3A_179 : i32 to index
        %get3A_181 = arith.constant 0 : index
        %get3A_182 = tpu.vector_load %arg15[%get3A, %get3A_180, %get3A_181] {strides = array<i32>} : memref<2x128x128xf32, #tpu.memory_space<vmem>>, vector<16xf32>,
        %get3A_183 = arith.index_cast %rem3A_110 : i32 to index
        %get3A_184 = arith.index_cast %add3A_179 : i32 to index
        %get3A_185 = arith.constant 0 : index
        %get3A_186 = tpu.vector_load %arg16[%get3A_183, %get3A_184, %get3A_185] {strides = array<i32>} : memref<2x128x128xf32, #tpu.memory_space<vmem>>, vector<16xf32>,
        %mul3A_187 = arith.mulf %get3A_182, %get3A_186 : vector<16xf32>
        %get3A_188 = arith.index_cast %rem3A_110 : i32 to index
        %get3A_189 = arith.index_cast %add3A_179 : i32 to index
        %get3A_190 = arith.constant 16 : index
        %get3A_191 = tpu.vector_load %arg15[%get3A_188, %get3A_189, %get3A_190] {strides = array<i32>} : memref<2x128x128xf32, #tpu.memory_space<vmem>>, vector<16xf32>,
        %get3A_192 = arith.index_cast %rem3A_110 : i32 to index
        %get3A_193 = arith.index_cast %add3A_179 : i32 to index
        %get3A_194 = arith.constant 16 : index
        %get3A_195 = tpu.vector_load %arg16[%get3A_192, %get3A_193, %get3A_194] {strides = array<i32>} : memref<2x128x128xf32, #tpu.memory_space<vmem>>, vector<16xf32>,
        %mul3A_196 = arith.mulf %get3A_191, %get3A_195 : vector<16xf32>
        %add3A_197 = arith.addf %mul3A_187, %mul3A_196 : vector<16xf32>
        %get3A_198 = arith.index_cast %rem3A_110 : i32 to index
        %get3A_199 = arith.index_cast %add3A_179 : i32 to index
        %get3A_200 = arith.constant 32 : index
        %get3A_201 = tpu.vector_load %arg15[%get3A_198, %get3A_199, %get3A_200] {strides = array<i32>} : memref<2x128x128xf32, #tpu.memory_space<vmem>>, vector<16xf32>,
        %get3A_202 = arith.index_cast %rem3A_110 : i32 to index
        %get3A_203 = arith.index_cast %add3A_179 : i32 to index
        %get3A_204 = arith.constant 32 : index
        %get3A_205 = tpu.vector_load %arg16[%get3A_202, %get3A_203, %get3A_204] {strides = array<i32>} : memref<2x128x128xf32, #tpu.memory_space<vmem>>, vector<16xf32>,
        %mul3A_206 = arith.mulf %get3A_201, %get3A_205 : vector<16xf32>
        %add3A_207 = arith.addf %add3A_197, %mul3A_206 : vector<16xf32>
        %get3A_208 = arith.index_cast %rem3A_110 : i32 to index
        %get3A_209 = arith.index_cast %add3A_179 : i32 to index
        %get3A_210 = arith.constant 48 : index
        %get3A_211 = tpu.vector_load %arg15[%get3A_208, %get3A_209, %get3A_210] {strides = array<i32>} : memref<2x128x128xf32, #tpu.memory_space<vmem>>, vector<16xf32>,
        %get3A_212 = arith.index_cast %rem3A_110 : i32 to index
        %get3A_213 = arith.index_cast %add3A_179 : i32 to index
        %get3A_214 = arith.constant 48 : index
        %get3A_215 = tpu.vector_load %arg16[%get3A_212, %get3A_213, %get3A_214] {strides = array<i32>} : memref<2x128x128xf32, #tpu.memory_space<vmem>>, vector<16xf32>,
        %mul3A_216 = arith.mulf %get3A_211, %get3A_215 : vector<16xf32>
        %add3A_217 = arith.addf %add3A_207, %mul3A_216 : vector<16xf32>
        %get3A_218 = arith.index_cast %rem3A_110 : i32 to index
        %get3A_219 = arith.index_cast %add3A_179 : i32 to index
        %get3A_220 = arith.constant 64 : index
        %get3A_221 = tpu.vector_load %arg15[%get3A_218, %get3A_219, %get3A_220] {strides = array<i32>} : memref<2x128x128xf32, #tpu.memory_space<vmem>>, vector<16xf32>,
        %get3A_222 = arith.index_cast %rem3A_110 : i32 to index
        %get3A_223 = arith.index_cast %add3A_179 : i32 to index
        %get3A_224 = arith.constant 64 : index
        %get3A_225 = tpu.vector_load %arg16[%get3A_222, %get3A_223, %get3A_224] {strides = array<i32>} : memref<2x128x128xf32, #tpu.memory_space<vmem>>, vector<16xf32>,
        %mul3A_226 = arith.mulf %get3A_221, %get3A_225 : vector<16xf32>
        %add3A_227 = arith.addf %add3A_217, %mul3A_226 : vector<16xf32>
        %get3A_228 = arith.index_cast %rem3A_110 : i32 to index
        %get3A_229 = arith.index_cast %add3A_179 : i32 to index
        %get3A_230 = arith.constant 80 : index
        %get3A_231 = tpu.vector_load %arg15[%get3A_228, %get3A_229, %get3A_230] {strides = array<i32>} : memref<2x128x128xf32, #tpu.memory_space<vmem>>, vector<16xf32>,
        %get3A_232 = arith.index_cast %rem3A_110 : i32 to index
        %get3A_233 = arith.index_cast %add3A_179 : i32 to index
        %get3A_234 = arith.constant 80 : index
        %get3A_235 = tpu.vector_load %arg16[%get3A_232, %get3A_233, %get3A_234] {strides = array<i32>} : memref<2x128x128xf32, #tpu.memory_space<vmem>>, vector<16xf32>,
        %mul3A_236 = arith.mulf %get3A_231, %get3A_235 : vector<16xf32>
        %add3A_237 = arith.addf %add3A_227, %mul3A_236 : vector<16xf32>
        %get3A_238 = arith.index_cast %rem3A_110 : i32 to index
        %get3A_239 = arith.index_cast %add3A_179 : i32 to index
        %get3A_240 = arith.constant 96 : index
        %get3A_241 = tpu.vector_load %arg15[%get3A_238, %get3A_239, %get3A_240] {strides = array<i32>} : memref<2x128x128xf32, #tpu.memory_space<vmem>>, vector<16xf32>,
        %get3A_242 = arith.index_cast %rem3A_110 : i32 to index
        %get3A_243 = arith.index_cast %add3A_179 : i32 to index
        %get3A_244 = arith.constant 96 : index
        %get3A_245 = tpu.vector_load %arg16[%get3A_242, %get3A_243, %get3A_244] {strides = array<i32>} : memref<2x128x128xf32, #tpu.memory_space<vmem>>, vector<16xf32>,
        %mul3A_246 = arith.mulf %get3A_241, %get3A_245 : vector<16xf32>
        %add3A_247 = arith.addf %add3A_237, %mul3A_246 : vector<16xf32>
        %get3A_248 = arith.index_cast %rem3A_110 : i32 to index
        %get3A_249 = arith.index_cast %add3A_179 : i32 to index
        %get3A_250 = arith.constant 112 : index
        %get3A_251 = tpu.vector_load %arg15[%get3A_248, %get3A_249, %get3A_250] {strides = array<i32>} : memref<2x128x128xf32, #tpu.memory_space<vmem>>, vector<16xf32>,
        %get3A_252 = arith.index_cast %rem3A_110 : i32 to index
        %get3A_253 = arith.index_cast %add3A_179 : i32 to index
        %get3A_254 = arith.constant 112 : index
        %get3A_255 = tpu.vector_load %arg16[%get3A_252, %get3A_253, %get3A_254] {strides = array<i32>} : memref<2x128x128xf32, #tpu.memory_space<vmem>>, vector<16xf32>,
        %mul3A_256 = arith.mulf %get3A_251, %get3A_255 : vector<16xf32>
        %add3A_257 = arith.addf %add3A_247, %mul3A_256 : vector<16xf32>
        %add3A_258 = arith.constant 0 : i32
        %add3A_259 = arith.addi %mul3A_175, %add3A_258 : i32
        %swap3A_260 = arith.index_cast %add3A_259 : i32 to index
        %swap3A_261 = tpu.vector_load %arg19[%swap3A_260] {strides = array<i32>} : memref<544xf32, #tpu.memory_space<vmem>>, vector<16xf32>,
        tpu.vector_store %arg19[%swap3A_260], %add3A_257 {strides = array<i32>} : memref<544xf32, #tpu.memory_space<vmem>>, vector<16xf32>,
        %mul3A_262 = arith.constant 16 : i32
        %mul3A_263 = arith.muli %scan3A_170, %mul3A_262 : i32
        %add3A_264 = arith.constant 1 : i32
        %add3A_265 = arith.addi %mul3A_263, %add3A_264 : i32
        %get3A_266 = arith.index_cast %rem3A_110 : i32 to index
        %get3A_267 = arith.index_cast %add3A_265 : i32 to index
        %get3A_268 = arith.constant 0 : index
        %get3A_269 = tpu.vector_load %arg15[%get3A_266, %get3A_267, %get3A_268] {strides = array<i32>} : memref<2x128x128xf32, #tpu.memory_space<vmem>>, vector<16xf32>,
        %get3A_270 = arith.index_cast %rem3A_110 : i32 to index
        %get3A_271 = arith.index_cast %add3A_265 : i32 to index
        %get3A_272 = arith.constant 0 : index
        %get3A_273 = tpu.vector_load %arg16[%get3A_270, %get3A_271, %get3A_272] {strides = array<i32>} : memref<2x128x128xf32, #tpu.memory_space<vmem>>, vector<16xf32>,
        %mul3A_274 = arith.mulf %get3A_269, %get3A_273 : vector<16xf32>
        %get3A_275 = arith.index_cast %rem3A_110 : i32 to index
        %get3A_276 = arith.index_cast %add3A_265 : i32 to index
        %get3A_277 = arith.constant 16 : index
        %get3A_278 = tpu.vector_load %arg15[%get3A_275, %get3A_276, %get3A_277] {strides = array<i32>} : memref<2x128x128xf32, #tpu.memory_space<vmem>>, vector<16xf32>,
        %get3A_279 = arith.index_cast %rem3A_110 : i32 to index
        %get3A_280 = arith.index_cast %add3A_265 : i32 to index
        %get3A_281 = arith.constant 16 : index
        %get3A_282 = tpu.vector_load %arg16[%get3A_279, %get3A_280, %get3A_281] {strides = array<i32>} : memref<2x128x128xf32, #tpu.memory_space<vmem>>, vector<16xf32>,
        %mul3A_283 = arith.mulf %get3A_278, %get3A_282 : vector<16xf32>
        %add3A_284 = arith.addf %mul3A_274, %mul3A_283 : vector<16xf32>
        %get3A_285 = arith.index_cast %rem3A_110 : i32 to index
        %get3A_286 = arith.index_cast %add3A_265 : i32 to index
        %get3A_287 = arith.constant 32 : index
        %get3A_288 = tpu.vector_load %arg15[%get3A_285, %get3A_286, %get3A_287] {strides = array<i32>} : memref<2x128x128xf32, #tpu.memory_space<vmem>>, vector<16xf32>,
        %get3A_289 = arith.index_cast %rem3A_110 : i32 to index
        %get3A_290 = arith.index_cast %add3A_265 : i32 to index
        %get3A_291 = arith.constant 32 : index
        %get3A_292 = tpu.vector_load %arg16[%get3A_289, %get3A_290, %get3A_291] {strides = array<i32>} : memref<2x128x128xf32, #tpu.memory_space<vmem>>, vector<16xf32>,
        %mul3A_293 = arith.mulf %get3A_288, %get3A_292 : vector<16xf32>
        %add3A_294 = arith.addf %add3A_284, %mul3A_293 : vector<16xf32>
        %get3A_295 = arith.index_cast %rem3A_110 : i32 to index
        %get3A_296 = arith.index_cast %add3A_265 : i32 to index
        %get3A_297 = arith.constant 48 : index
        %get3A_298 = tpu.vector_load %arg15[%get3A_295, %get3A_296, %get3A_297] {strides = array<i32>} : memref<2x128x128xf32, #tpu.memory_space<vmem>>, vector<16xf32>,
        %get3A_299 = arith.index_cast %rem3A_110 : i32 to index
        %get3A_300 = arith.index_cast %add3A_265 : i32 to index
        %get3A_301 = arith.constant 48 : index
        %get3A_302 = tpu.vector_load %arg16[%get3A_299, %get3A_300, %get3A_301] {strides = array<i32>} : memref<2x128x128xf32, #tpu.memory_space<vmem>>, vector<16xf32>,
        %mul3A_303 = arith.mulf %get3A_298, %get3A_302 : vector<16xf32>
        %add3A_304 = arith.addf %add3A_294, %mul3A_303 : vector<16xf32>
        %get3A_305 = arith.index_cast %rem3A_110 : i32 to index
        %get3A_306 = arith.index_cast %add3A_265 : i32 to index
        %get3A_307 = arith.constant 64 : index
        %get3A_308 = tpu.vector_load %arg15[%get3A_305, %get3A_306, %get3A_307] {strides = array<i32>} : memref<2x128x128xf32, #tpu.memory_space<vmem>>, vector<16xf32>,
        %get3A_309 = arith.index_cast %rem3A_110 : i32 to index
        %get3A_310 = arith.index_cast %add3A_265 : i32 to index
        %get3A_311 = arith.constant 64 : index
        %get3A_312 = tpu.vector_load %arg16[%get3A_309, %get3A_310, %get3A_311] {strides = array<i32>} : memref<2x128x128xf32, #tpu.memory_space<vmem>>, vector<16xf32>,
        %mul3A_313 = arith.mulf %get3A_308, %get3A_312 : vector<16xf32>
        %add3A_314 = arith.addf %add3A_304, %mul3A_313 : vector<16xf32>
        %get3A_315 = arith.index_cast %rem3A_110 : i32 to index
        %get3A_316 = arith.index_cast %add3A_265 : i32 to index
        %get3A_317 = arith.constant 80 : index
        %get3A_318 = tpu.vector_load %arg15[%get3A_315, %get3A_316, %get3A_317] {strides = array<i32>} : memref<2x128x128xf32, #tpu.memory_space<vmem>>, vector<16xf32>,
        %get3A_319 = arith.index_cast %rem3A_110 : i32 to index
        %get3A_320 = arith.index_cast %add3A_265 : i32 to index
        %get3A_321 = arith.constant 80 : index
        %get3A_322 = tpu.vector_load %arg16[%get3A_319, %get3A_320, %get3A_321] {strides = array<i32>} : memref<2x128x128xf32, #tpu.memory_space<vmem>>, vector<16xf32>,
        %mul3A_323 = arith.mulf %get3A_318, %get3A_322 : vector<16xf32>
        %add3A_324 = arith.addf %add3A_314, %mul3A_323 : vector<16xf32>
        %get3A_325 = arith.index_cast %rem3A_110 : i32 to index
        %get3A_326 = arith.index_cast %add3A_265 : i32 to index
        %get3A_327 = arith.constant 96 : index
        %get3A_328 = tpu.vector_load %arg15[%get3A_325, %get3A_326, %get3A_327] {strides = array<i32>} : memref<2x128x128xf32, #tpu.memory_space<vmem>>, vector<16xf32>,
        %get3A_329 = arith.index_cast %rem3A_110 : i32 to index
        %get3A_330 = arith.index_cast %add3A_265 : i32 to index
        %get3A_331 = arith.constant 96 : index
        %get3A_332 = tpu.vector_load %arg16[%get3A_329, %get3A_330, %get3A_331] {strides = array<i32>} : memref<2x128x128xf32, #tpu.memory_space<vmem>>, vector<16xf32>,
        %mul3A_333 = arith.mulf %get3A_328, %get3A_332 : vector<16xf32>
        %add3A_334 = arith.addf %add3A_324, %mul3A_333 : vector<16xf32>
        %get3A_335 = arith.index_cast %rem3A_110 : i32 to index
        %get3A_336 = arith.index_cast %add3A_265 : i32 to index
        %get3A_337 = arith.constant 112 : index
        %get3A_338 = tpu.vector_load %arg15[%get3A_335, %get3A_336, %get3A_337] {strides = array<i32>} : memref<2x128x128xf32, #tpu.memory_space<vmem>>, vector<16xf32>,
        %get3A_339 = arith.index_cast %rem3A_110 : i32 to index
        %get3A_340 = arith.index_cast %add3A_265 : i32 to index
        %get3A_341 = arith.constant 112 : index
        %get3A_342 = tpu.vector_load %arg16[%get3A_339, %get3A_340, %get3A_341] {strides = array<i32>} : memref<2x128x128xf32, #tpu.memory_space<vmem>>, vector<16xf32>,
        %mul3A_343 = arith.mulf %get3A_338, %get3A_342 : vector<16xf32>
        %add3A_344 = arith.addf %add3A_334, %mul3A_343 : vector<16xf32>
        %add3A_345 = arith.constant 17 : i32
        %add3A_346 = arith.addi %mul3A_175, %add3A_345 : i32
        %swap3A_347 = arith.index_cast %add3A_346 : i32 to index
        %swap3A_348 = tpu.vector_load %arg19[%swap3A_347] {strides = array<i32>} : memref<544xf32, #tpu.memory_space<vmem>>, vector<16xf32>,
        tpu.vector_store %arg19[%swap3A_347], %add3A_344 {strides = array<i32>} : memref<544xf32, #tpu.memory_space<vmem>>, vector<16xf32>,
        %mul3A_349 = arith.constant 16 : i32
        %mul3A_350 = arith.muli %scan3A_170, %mul3A_349 : i32
        %add3A_351 = arith.constant 2 : i32
        %add3A_352 = arith.addi %mul3A_350, %add3A_351 : i32
        %get3A_353 = arith.index_cast %rem3A_110 : i32 to index
        %get3A_354 = arith.index_cast %add3A_352 : i32 to index
        %get3A_355 = arith.constant 0 : index
        %get3A_356 = tpu.vector_load %arg15[%get3A_353, %get3A_354, %get3A_355] {strides = array<i32>} : memref<2x128x128xf32, #tpu.memory_space<vmem>>, vector<16xf32>,
        %get3A_357 = arith.index_cast %rem3A_110 : i32 to index
        %get3A_358 = arith.index_cast %add3A_352 : i32 to index
        %get3A_359 = arith.constant 0 : index
        %get3A_360 = tpu.vector_load %arg16[%get3A_357, %get3A_358, %get3A_359] {strides = array<i32>} : memref<2x128x128xf32, #tpu.memory_space<vmem>>, vector<16xf32>,
        %mul3A_361 = arith.mulf %get3A_356, %get3A_360 : vector<16xf32>
        %get3A_362 = arith.index_cast %rem3A_110 : i32 to index
        %get3A_363 = arith.index_cast %add3A_352 : i32 to index
        %get3A_364 = arith.constant 16 : index
        %get3A_365 = tpu.vector_load %arg15[%get3A_362, %get3A_363, %get3A_364] {strides = array<i32>} : memref<2x128x128xf32, #tpu.memory_space<vmem>>, vector<16xf32>,
        %get3A_366 = arith.index_cast %rem3A_110 : i32 to index
        %get3A_367 = arith.index_cast %add3A_352 : i32 to index
        %get3A_368 = arith.constant 16 : index
        %get3A_369 = tpu.vector_load %arg16[%get3A_366, %get3A_367, %get3A_368] {strides = array<i32>} : memref<2x128x128xf32, #tpu.memory_space<vmem>>, vector<16xf32>,
        %mul3A_370 = arith.mulf %get3A_365, %get3A_369 : vector<16xf32>
        %add3A_371 = arith.addf %mul3A_361, %mul3A_370 : vector<16xf32>
        %get3A_372 = arith.index_cast %rem3A_110 : i32 to index
        %get3A_373 = arith.index_cast %add3A_352 : i32 to index
        %get3A_374 = arith.constant 32 : index
        %get3A_375 = tpu.vector_load %arg15[%get3A_372, %get3A_373, %get3A_374] {strides = array<i32>} : memref<2x128x128xf32, #tpu.memory_space<vmem>>, vector<16xf32>,
        %get3A_376 = arith.index_cast %rem3A_110 : i32 to index
        %get3A_377 = arith.index_cast %add3A_352 : i32 to index
        %get3A_378 = arith.constant 32 : index
        %get3A_379 = tpu.vector_load %arg16[%get3A_376, %get3A_377, %get3A_378] {strides = array<i32>} : memref<2x128x128xf32, #tpu.memory_space<vmem>>, vector<16xf32>,
        %mul3A_380 = arith.mulf %get3A_375, %get3A_379 : vector<16xf32>
        %add3A_381 = arith.addf %add3A_371, %mul3A_380 : vector<16xf32>
        %get3A_382 = arith.index_cast %rem3A_110 : i32 to index
        %get3A_383 = arith.index_cast %add3A_352 : i32 to index
        %get3A_384 = arith.constant 48 : index
        %get3A_385 = tpu.vector_load %arg15[%get3A_382, %get3A_383, %get3A_384] {strides = array<i32>} : memref<2x128x128xf32, #tpu.memory_space<vmem>>, vector<16xf32>,
        %get3A_386 = arith.index_cast %rem3A_110 : i32 to index
        %get3A_387 = arith.index_cast %add3A_352 : i32 to index
        %get3A_388 = arith.constant 48 : index
        %get3A_389 = tpu.vector_load %arg16[%get3A_386, %get3A_387, %get3A_388] {strides = array<i32>} : memref<2x128x128xf32, #tpu.memory_space<vmem>>, vector<16xf32>,
        %mul3A_390 = arith.mulf %get3A_385, %get3A_389 : vector<16xf32>
        %add3A_391 = arith.addf %add3A_381, %mul3A_390 : vector<16xf32>
        %get3A_392 = arith.index_cast %rem3A_110 : i32 to index
        %get3A_393 = arith.index_cast %add3A_352 : i32 to index
        %get3A_394 = arith.constant 64 : index
        %get3A_395 = tpu.vector_load %arg15[%get3A_392, %get3A_393, %get3A_394] {strides = array<i32>} : memref<2x128x128xf32, #tpu.memory_space<vmem>>, vector<16xf32>,
        %get3A_396 = arith.index_cast %rem3A_110 : i32 to index
        %get3A_397 = arith.index_cast %add3A_352 : i32 to index
        %get3A_398 = arith.constant 64 : index
        %get3A_399 = tpu.vector_load %arg16[%get3A_396, %get3A_397, %get3A_398] {strides = array<i32>} : memref<2x128x128xf32, #tpu.memory_space<vmem>>, vector<16xf32>,
        %mul3A_400 = arith.mulf %get3A_395, %get3A_399 : vector<16xf32>
        %add3A_401 = arith.addf %add3A_391, %mul3A_400 : vector<16xf32>
        %get3A_402 = arith.index_cast %rem3A_110 : i32 to index
        %get3A_403 = arith.index_cast %add3A_352 : i32 to index
        %get3A_404 = arith.constant 80 : index
        %get3A_405 = tpu.vector_load %arg15[%get3A_402, %get3A_403, %get3A_404] {strides = array<i32>} : memref<2x128x128xf32, #tpu.memory_space<vmem>>, vector<16xf32>,
        %get3A_406 = arith.index_cast %rem3A_110 : i32 to index
        %get3A_407 = arith.index_cast %add3A_352 : i32 to index
        %get3A_408 = arith.constant 80 : index
        %get3A_409 = tpu.vector_load %arg16[%get3A_406, %get3A_407, %get3A_408] {strides = array<i32>} : memref<2x128x128xf32, #tpu.memory_space<vmem>>, vector<16xf32>,
        %mul3A_410 = arith.mulf %get3A_405, %get3A_409 : vector<16xf32>
        %add3A_411 = arith.addf %add3A_401, %mul3A_410 : vector<16xf32>
        %get3A_412 = arith.index_cast %rem3A_110 : i32 to index
        %get3A_413 = arith.index_cast %add3A_352 : i32 to index
        %get3A_414 = arith.constant 96 : index
        %get3A_415 = tpu.vector_load %arg15[%get3A_412, %get3A_413, %get3A_414] {strides = array<i32>} : memref<2x128x128xf32, #tpu.memory_space<vmem>>, vector<16xf32>,
        %get3A_416 = arith.index_cast %rem3A_110 : i32 to index
        %get3A_417 = arith.index_cast %add3A_352 : i32 to index
        %get3A_418 = arith.constant 96 : index
        %get3A_419 = tpu.vector_load %arg16[%get3A_416, %get3A_417, %get3A_418] {strides = array<i32>} : memref<2x128x128xf32, #tpu.memory_space<vmem>>, vector<16xf32>,
        %mul3A_420 = arith.mulf %get3A_415, %get3A_419 : vector<16xf32>
        %add3A_421 = arith.addf %add3A_411, %mul3A_420 : vector<16xf32>
        %get3A_422 = arith.index_cast %rem3A_110 : i32 to index
        %get3A_423 = arith.index_cast %add3A_352 : i32 to index
        %get3A_424 = arith.constant 112 : index
        %get3A_425 = tpu.vector_load %arg15[%get3A_422, %get3A_423, %get3A_424] {strides = array<i32>} : memref<2x128x128xf32, #tpu.memory_space<vmem>>, vector<16xf32>,
        %get3A_426 = arith.index_cast %rem3A_110 : i32 to index
        %get3A_427 = arith.index_cast %add3A_352 : i32 to index
        %get3A_428 = arith.constant 112 : index
        %get3A_429 = tpu.vector_load %arg16[%get3A_426, %get3A_427, %get3A_428] {strides = array<i32>} : memref<2x128x128xf32, #tpu.memory_space<vmem>>, vector<16xf32>,
        %mul3A_430 = arith.mulf %get3A_425, %get3A_429 : vector<16xf32>
        %add3A_431 = arith.addf %add3A_421, %mul3A_430 : vector<16xf32>
        %add3A_432 = arith.constant 34 : i32
        %add3A_433 = arith.addi %mul3A_175, %add3A_432 : i32
        %swap3A_434 = arith.index_cast %add3A_433 : i32 to index
        %swap3A_435 = tpu.vector_load %arg19[%swap3A_434] {strides = array<i32>} : memref<544xf32, #tpu.memory_space<vmem>>, vector<16xf32>,
        tpu.vector_store %arg19[%swap3A_434], %add3A_431 {strides = array<i32>} : memref<544xf32, #tpu.memory_space<vmem>>, vector<16xf32>,
        %mul3A_436 = arith.constant 16 : i32
        %mul3A_437 = arith.muli %scan3A_170, %mul3A_436 : i32
        %add3A_438 = arith.constant 3 : i32
        %add3A_439 = arith.addi %mul3A_437, %add3A_438 : i32
        %get3A_440 = arith.index_cast %rem3A_110 : i32 to index
        %get3A_441 = arith.index_cast %add3A_439 : i32 to index
        %get3A_442 = arith.constant 0 : index
        %get3A_443 = tpu.vector_load %arg15[%get3A_440, %get3A_441, %get3A_442] {strides = array<i32>} : memref<2x128x128xf32, #tpu.memory_space<vmem>>, vector<16xf32>,
        %get3A_444 = arith.index_cast %rem3A_110 : i32 to index
        %get3A_445 = arith.index_cast %add3A_439 : i32 to index
        %get3A_446 = arith.constant 0 : index
        %get3A_447 = tpu.vector_load %arg16[%get3A_444, %get3A_445, %get3A_446] {strides = array<i32>} : memref<2x128x128xf32, #tpu.memory_space<vmem>>, vector<16xf32>,
        %mul3A_448 = arith.mulf %get3A_443, %get3A_447 : vector<16xf32>
        %get3A_449 = arith.index_cast %rem3A_110 : i32 to index
        %get3A_450 = arith.index_cast %add3A_439 : i32 to index
        %get3A_451 = arith.constant 16 : index
        %get3A_452 = tpu.vector_load %arg15[%get3A_449, %get3A_450, %get3A_451] {strides = array<i32>} : memref<2x128x128xf32, #tpu.memory_space<vmem>>, vector<16xf32>,
        %get3A_453 = arith.index_cast %rem3A_110 : i32 to index
        %get3A_454 = arith.index_cast %add3A_439 : i32 to index
        %get3A_455 = arith.constant 16 : index
        %get3A_456 = tpu.vector_load %arg16[%get3A_453, %get3A_454, %get3A_455] {strides = array<i32>} : memref<2x128x128xf32, #tpu.memory_space<vmem>>, vector<16xf32>,
        %mul3A_457 = arith.mulf %get3A_452, %get3A_456 : vector<16xf32>
        %add3A_458 = arith.addf %mul3A_448, %mul3A_457 : vector<16xf32>
        %get3A_459 = arith.index_cast %rem3A_110 : i32 to index
        %get3A_460 = arith.index_cast %add3A_439 : i32 to index
        %get3A_461 = arith.constant 32 : index
        %get3A_462 = tpu.vector_load %arg15[%get3A_459, %get3A_460, %get3A_461] {strides = array<i32>} : memref<2x128x128xf32, #tpu.memory_space<vmem>>, vector<16xf32>,
        %get3A_463 = arith.index_cast %rem3A_110 : i32 to index
        %get3A_464 = arith.index_cast %add3A_439 : i32 to index
        %get3A_465 = arith.constant 32 : index
        %get3A_466 = tpu.vector_load %arg16[%get3A_463, %get3A_464, %get3A_465] {strides = array<i32>} : memref<2x128x128xf32, #tpu.memory_space<vmem>>, vector<16xf32>,
        %mul3A_467 = arith.mulf %get3A_462, %get3A_466 : vector<16xf32>
        %add3A_468 = arith.addf %add3A_458, %mul3A_467 : vector<16xf32>
        %get3A_469 = arith.index_cast %rem3A_110 : i32 to index
        %get3A_470 = arith.index_cast %add3A_439 : i32 to index
        %get3A_471 = arith.constant 48 : index
        %get3A_472 = tpu.vector_load %arg15[%get3A_469, %get3A_470, %get3A_471] {strides = array<i32>} : memref<2x128x128xf32, #tpu.memory_space<vmem>>, vector<16xf32>,
        %get3A_473 = arith.index_cast %rem3A_110 : i32 to index
        %get3A_474 = arith.index_cast %add3A_439 : i32 to index
        %get3A_475 = arith.constant 48 : index
        %get3A_476 = tpu.vector_load %arg16[%get3A_473, %get3A_474, %get3A_475] {strides = array<i32>} : memref<2x128x128xf32, #tpu.memory_space<vmem>>, vector<16xf32>,
        %mul3A_477 = arith.mulf %get3A_472, %get3A_476 : vector<16xf32>
        %add3A_478 = arith.addf %add3A_468, %mul3A_477 : vector<16xf32>
        %get3A_479 = arith.index_cast %rem3A_110 : i32 to index
        %get3A_480 = arith.index_cast %add3A_439 : i32 to index
        %get3A_481 = arith.constant 64 : index
        %get3A_482 = tpu.vector_load %arg15[%get3A_479, %get3A_480, %get3A_481] {strides = array<i32>} : memref<2x128x128xf32, #tpu.memory_space<vmem>>, vector<16xf32>,
        %get3A_483 = arith.index_cast %rem3A_110 : i32 to index
        %get3A_484 = arith.index_cast %add3A_439 : i32 to index
        %get3A_485 = arith.constant 64 : index
        %get3A_486 = tpu.vector_load %arg16[%get3A_483, %get3A_484, %get3A_485] {strides = array<i32>} : memref<2x128x128xf32, #tpu.memory_space<vmem>>, vector<16xf32>,
        %mul3A_487 = arith.mulf %get3A_482, %get3A_486 : vector<16xf32>
        %add3A_488 = arith.addf %add3A_478, %mul3A_487 : vector<16xf32>
        %get3A_489 = arith.index_cast %rem3A_110 : i32 to index
        %get3A_490 = arith.index_cast %add3A_439 : i32 to index
        %get3A_491 = arith.constant 80 : index
        %get3A_492 = tpu.vector_load %arg15[%get3A_489, %get3A_490, %get3A_491] {strides = array<i32>} : memref<2x128x128xf32, #tpu.memory_space<vmem>>, vector<16xf32>,
        %get3A_493 = arith.index_cast %rem3A_110 : i32 to index
        %get3A_494 = arith.index_cast %add3A_439 : i32 to index
        %get3A_495 = arith.constant 80 : index
        %get3A_496 = tpu.vector_load %arg16[%get3A_493, %get3A_494, %get3A_495] {strides = array<i32>} : memref<2x128x128xf32, #tpu.memory_space<vmem>>, vector<16xf32>,
        %mul3A_497 = arith.mulf %get3A_492, %get3A_496 : vector<16xf32>
        %add3A_498 = arith.addf %add3A_488, %mul3A_497 : vector<16xf32>
        %get3A_499 = arith.index_cast %rem3A_110 : i32 to index
        %get3A_500 = arith.index_cast %add3A_439 : i32 to index
        %get3A_501 = arith.constant 96 : index
        %get3A_502 = tpu.vector_load %arg15[%get3A_499, %get3A_500, %get3A_501] {strides = array<i32>} : memref<2x128x128xf32, #tpu.memory_space<vmem>>, vector<16xf32>,
        %get3A_503 = arith.index_cast %rem3A_110 : i32 to index
        %get3A_504 = arith.index_cast %add3A_439 : i32 to index
        %get3A_505 = arith.constant 96 : index
        %get3A_506 = tpu.vector_load %arg16[%get3A_503, %get3A_504, %get3A_505] {strides = array<i32>} : memref<2x128x128xf32, #tpu.memory_space<vmem>>, vector<16xf32>,
        %mul3A_507 = arith.mulf %get3A_502, %get3A_506 : vector<16xf32>
        %add3A_508 = arith.addf %add3A_498, %mul3A_507 : vector<16xf32>
        %get3A_509 = arith.index_cast %rem3A_110 : i32 to index
        %get3A_510 = arith.index_cast %add3A_439 : i32 to index
        %get3A_511 = arith.constant 112 : index
        %get3A_512 = tpu.vector_load %arg15[%get3A_509, %get3A_510, %get3A_511] {strides = array<i32>} : memref<2x128x128xf32, #tpu.memory_space<vmem>>, vector<16xf32>,
        %get3A_513 = arith.index_cast %rem3A_110 : i32 to index
        %get3A_514 = arith.index_cast %add3A_439 : i32 to index
        %get3A_515 = arith.constant 112 : index
        %get3A_516 = tpu.vector_load %arg16[%get3A_513, %get3A_514, %get3A_515] {strides = array<i32>} : memref<2x128x128xf32, #tpu.memory_space<vmem>>, vector<16xf32>,
        %mul3A_517 = arith.mulf %get3A_512, %get3A_516 : vector<16xf32>
        %add3A_518 = arith.addf %add3A_508, %mul3A_517 : vector<16xf32>
        %add3A_519 = arith.constant 51 : i32
        %add3A_520 = arith.addi %mul3A_175, %add3A_519 : i32
        %swap3A_521 = arith.index_cast %add3A_520 : i32 to index
        %swap3A_522 = tpu.vector_load %arg19[%swap3A_521] {strides = array<i32>} : memref<544xf32, #tpu.memory_space<vmem>>, vector<16xf32>,
        tpu.vector_store %arg19[%swap3A_521], %add3A_518 {strides = array<i32>} : memref<544xf32, #tpu.memory_space<vmem>>, vector<16xf32>,
        %mul3A_523 = arith.constant 16 : i32
        %mul3A_524 = arith.muli %scan3A_170, %mul3A_523 : i32
        %add3A_525 = arith.constant 4 : i32
        %add3A_526 = arith.addi %mul3A_524, %add3A_525 : i32
        %get3A_527 = arith.index_cast %rem3A_110 : i32 to index
        %get3A_528 = arith.index_cast %add3A_526 : i32 to index
        %get3A_529 = arith.constant 0 : index
        %get3A_530 = tpu.vector_load %arg15[%get3A_527, %get3A_528, %get3A_529] {strides = array<i32>} : memref<2x128x128xf32, #tpu.memory_space<vmem>>, vector<16xf32>,
        %get3A_531 = arith.index_cast %rem3A_110 : i32 to index
        %get3A_532 = arith.index_cast %add3A_526 : i32 to index
        %get3A_533 = arith.constant 0 : index
        %get3A_534 = tpu.vector_load %arg16[%get3A_531, %get3A_532, %get3A_533] {strides = array<i32>} : memref<2x128x128xf32, #tpu.memory_space<vmem>>, vector<16xf32>,
        %mul3A_535 = arith.mulf %get3A_530, %get3A_534 : vector<16xf32>
        %get3A_536 = arith.index_cast %rem3A_110 : i32 to index
        %get3A_537 = arith.index_cast %add3A_526 : i32 to index
        %get3A_538 = arith.constant 16 : index
        %get3A_539 = tpu.vector_load %arg15[%get3A_536, %get3A_537, %get3A_538] {strides = array<i32>} : memref<2x128x128xf32, #tpu.memory_space<vmem>>, vector<16xf32>,
        %get3A_540 = arith.index_cast %rem3A_110 : i32 to index
        %get3A_541 = arith.index_cast %add3A_526 : i32 to index
        %get3A_542 = arith.constant 16 : index
        %get3A_543 = tpu.vector_load %arg16[%get3A_540, %get3A_541, %get3A_542] {strides = array<i32>} : memref<2x128x128xf32, #tpu.memory_space<vmem>>, vector<16xf32>,
        %mul3A_544 = arith.mulf %get3A_539, %get3A_543 : vector<16xf32>
        %add3A_545 = arith.addf %mul3A_535, %mul3A_544 : vector<16xf32>
        %get3A_546 = arith.index_cast %rem3A_110 : i32 to index
        %get3A_547 = arith.index_cast %add3A_526 : i32 to index
        %get3A_548 = arith.constant 32 : index
        %get3A_549 = tpu.vector_load %arg15[%get3A_546, %get3A_547, %get3A_548] {strides = array<i32>} : memref<2x128x128xf32, #tpu.memory_space<vmem>>, vector<16xf32>,
        %get3A_550 = arith.index_cast %rem3A_110 : i32 to index
        %get3A_551 = arith.index_cast %add3A_526 : i32 to index
        %get3A_552 = arith.constant 32 : index
        %get3A_553 = tpu.vector_load %arg16[%get3A_550, %get3A_551, %get3A_552] {strides = array<i32>} : memref<2x128x128xf32, #tpu.memory_space<vmem>>, vector<16xf32>,
        %mul3A_554 = arith.mulf %get3A_549, %get3A_553 : vector<16xf32>
        %add3A_555 = arith.addf %add3A_545, %mul3A_554 : vector<16xf32>
        %get3A_556 = arith.index_cast %rem3A_110 : i32 to index
        %get3A_557 = arith.index_cast %add3A_526 : i32 to index
        %get3A_558 = arith.constant 48 : index
        %get3A_559 = tpu.vector_load %arg15[%get3A_556, %get3A_557, %get3A_558] {strides = array<i32>} : memref<2x128x128xf32, #tpu.memory_space<vmem>>, vector<16xf32>,
        %get3A_560 = arith.index_cast %rem3A_110 : i32 to index
        %get3A_561 = arith.index_cast %add3A_526 : i32 to index
        %get3A_562 = arith.constant 48 : index
        %get3A_563 = tpu.vector_load %arg16[%get3A_560, %get3A_561, %get3A_562] {strides = array<i32>} : memref<2x128x128xf32, #tpu.memory_space<vmem>>, vector<16xf32>,
        %mul3A_564 = arith.mulf %get3A_559, %get3A_563 : vector<16xf32>
        %add3A_565 = arith.addf %add3A_555, %mul3A_564 : vector<16xf32>
        %get3A_566 = arith.index_cast %rem3A_110 : i32 to index
        %get3A_567 = arith.index_cast %add3A_526 : i32 to index
        %get3A_568 = arith.constant 64 : index
        %get3A_569 = tpu.vector_load %arg15[%get3A_566, %get3A_567, %get3A_568] {strides = array<i32>} : memref<2x128x128xf32, #tpu.memory_space<vmem>>, vector<16xf32>,
        %get3A_570 = arith.index_cast %rem3A_110 : i32 to index
        %get3A_571 = arith.index_cast %add3A_526 : i32 to index
        %get3A_572 = arith.constant 64 : index
        %get3A_573 = tpu.vector_load %arg16[%get3A_570, %get3A_571, %get3A_572] {strides = array<i32>} : memref<2x128x128xf32, #tpu.memory_space<vmem>>, vector<16xf32>,
        %mul3A_574 = arith.mulf %get3A_569, %get3A_573 : vector<16xf32>
        %add3A_575 = arith.addf %add3A_565, %mul3A_574 : vector<16xf32>
        %get3A_576 = arith.index_cast %rem3A_110 : i32 to index
        %get3A_577 = arith.index_cast %add3A_526 : i32 to index
        %get3A_578 = arith.constant 80 : index
        %get3A_579 = tpu.vector_load %arg15[%get3A_576, %get3A_577, %get3A_578] {strides = array<i32>} : memref<2x128x128xf32, #tpu.memory_space<vmem>>, vector<16xf32>,
        %get3A_580 = arith.index_cast %rem3A_110 : i32 to index
        %get3A_581 = arith.index_cast %add3A_526 : i32 to index
        %get3A_582 = arith.constant 80 : index
        %get3A_583 = tpu.vector_load %arg16[%get3A_580, %get3A_581, %get3A_582] {strides = array<i32>} : memref<2x128x128xf32, #tpu.memory_space<vmem>>, vector<16xf32>,
        %mul3A_584 = arith.mulf %get3A_579, %get3A_583 : vector<16xf32>
        %add3A_585 = arith.addf %add3A_575, %mul3A_584 : vector<16xf32>
        %get3A_586 = arith.index_cast %rem3A_110 : i32 to index
        %get3A_587 = arith.index_cast %add3A_526 : i32 to index
        %get3A_588 = arith.constant 96 : index
        %get3A_589 = tpu.vector_load %arg15[%get3A_586, %get3A_587, %get3A_588] {strides = array<i32>} : memref<2x128x128xf32, #tpu.memory_space<vmem>>, vector<16xf32>,
        %get3A_590 = arith.index_cast %rem3A_110 : i32 to index
        %get3A_591 = arith.index_cast %add3A_526 : i32 to index
        %get3A_592 = arith.constant 96 : index
        %get3A_593 = tpu.vector_load %arg16[%get3A_590, %get3A_591, %get3A_592] {strides = array<i32>} : memref<2x128x128xf32, #tpu.memory_space<vmem>>, vector<16xf32>,
        %mul3A_594 = arith.mulf %get3A_589, %get3A_593 : vector<16xf32>
        %add3A_595 = arith.addf %add3A_585, %mul3A_594 : vector<16xf32>
        %get3A_596 = arith.index_cast %rem3A_110 : i32 to index
        %get3A_597 = arith.index_cast %add3A_526 : i32 to index
        %get3A_598 = arith.constant 112 : index
        %get3A_599 = tpu.vector_load %arg15[%get3A_596, %get3A_597, %get3A_598] {strides = array<i32>} : memref<2x128x128xf32, #tpu.memory_space<vmem>>, vector<16xf32>,
        %get3A_600 = arith.index_cast %rem3A_110 : i32 to index
        %get3A_601 = arith.index_cast %add3A_526 : i32 to index
        %get3A_602 = arith.constant 112 : index
        %get3A_603 = tpu.vector_load %arg16[%get3A_600, %get3A_601, %get3A_602] {strides = array<i32>} : memref<2x128x128xf32, #tpu.memory_space<vmem>>, vector<16xf32>,
        %mul3A_604 = arith.mulf %get3A_599, %get3A_603 : vector<16xf32>
        %add3A_605 = arith.addf %add3A_595, %mul3A_604 : vector<16xf32>
        %add3A_606 = arith.constant 68 : i32
        %add3A_607 = arith.addi %mul3A_175, %add3A_606 : i32
        %swap3A_608 = arith.index_cast %add3A_607 : i32 to index
        %swap3A_609 = tpu.vector_load %arg19[%swap3A_608] {strides = array<i32>} : memref<544xf32, #tpu.memory_space<vmem>>, vector<16xf32>,
        tpu.vector_store %arg19[%swap3A_608], %add3A_605 {strides = array<i32>} : memref<544xf32, #tpu.memory_space<vmem>>, vector<16xf32>,
        %mul3A_610 = arith.constant 16 : i32
        %mul3A_611 = arith.muli %scan3A_170, %mul3A_610 : i32
        %add3A_612 = arith.constant 5 : i32
        %add3A_613 = arith.addi %mul3A_611, %add3A_612 : i32
        %get3A_614 = arith.index_cast %rem3A_110 : i32 to index
        %get3A_615 = arith.index_cast %add3A_613 : i32 to index
        %get3A_616 = arith.constant 0 : index
        %get3A_617 = tpu.vector_load %arg15[%get3A_614, %get3A_615, %get3A_616] {strides = array<i32>} : memref<2x128x128xf32, #tpu.memory_space<vmem>>, vector<16xf32>,
        %get3A_618 = arith.index_cast %rem3A_110 : i32 to index
        %get3A_619 = arith.index_cast %add3A_613 : i32 to index
        %get3A_620 = arith.constant 0 : index
        %get3A_621 = tpu.vector_load %arg16[%get3A_618, %get3A_619, %get3A_620] {strides = array<i32>} : memref<2x128x128xf32, #tpu.memory_space<vmem>>, vector<16xf32>,
        %mul3A_622 = arith.mulf %get3A_617, %get3A_621 : vector<16xf32>
        %get3A_623 = arith.index_cast %rem3A_110 : i32 to index
        %get3A_624 = arith.index_cast %add3A_613 : i32 to index
        %get3A_625 = arith.constant 16 : index
        %get3A_626 = tpu.vector_load %arg15[%get3A_623, %get3A_624, %get3A_625] {strides = array<i32>} : memref<2x128x128xf32, #tpu.memory_space<vmem>>, vector<16xf32>,
        %get3A_627 = arith.index_cast %rem3A_110 : i32 to index
        %get3A_628 = arith.index_cast %add3A_613 : i32 to index
        %get3A_629 = arith.constant 16 : index
        %get3A_630 = tpu.vector_load %arg16[%get3A_627, %get3A_628, %get3A_629] {strides = array<i32>} : memref<2x128x128xf32, #tpu.memory_space<vmem>>, vector<16xf32>,
        %mul3A_631 = arith.mulf %get3A_626, %get3A_630 : vector<16xf32>
        %add3A_632 = arith.addf %mul3A_622, %mul3A_631 : vector<16xf32>
        %get3A_633 = arith.index_cast %rem3A_110 : i32 to index
        %get3A_634 = arith.index_cast %add3A_613 : i32 to index
        %get3A_635 = arith.constant 32 : index
        %get3A_636 = tpu.vector_load %arg15[%get3A_633, %get3A_634, %get3A_635] {strides = array<i32>} : memref<2x128x128xf32, #tpu.memory_space<vmem>>, vector<16xf32>,
        %get3A_637 = arith.index_cast %rem3A_110 : i32 to index
        %get3A_638 = arith.index_cast %add3A_613 : i32 to index
        %get3A_639 = arith.constant 32 : index
        %get3A_640 = tpu.vector_load %arg16[%get3A_637, %get3A_638, %get3A_639] {strides = array<i32>} : memref<2x128x128xf32, #tpu.memory_space<vmem>>, vector<16xf32>,
        %mul3A_641 = arith.mulf %get3A_636, %get3A_640 : vector<16xf32>
        %add3A_642 = arith.addf %add3A_632, %mul3A_641 : vector<16xf32>
        %get3A_643 = arith.index_cast %rem3A_110 : i32 to index
        %get3A_644 = arith.index_cast %add3A_613 : i32 to index
        %get3A_645 = arith.constant 48 : index
        %get3A_646 = tpu.vector_load %arg15[%get3A_643, %get3A_644, %get3A_645] {strides = array<i32>} : memref<2x128x128xf32, #tpu.memory_space<vmem>>, vector<16xf32>,
        %get3A_647 = arith.index_cast %rem3A_110 : i32 to index
        %get3A_648 = arith.index_cast %add3A_613 : i32 to index
        %get3A_649 = arith.constant 48 : index
        %get3A_650 = tpu.vector_load %arg16[%get3A_647, %get3A_648, %get3A_649] {strides = array<i32>} : memref<2x128x128xf32, #tpu.memory_space<vmem>>, vector<16xf32>,
        %mul3A_651 = arith.mulf %get3A_646, %get3A_650 : vector<16xf32>
        %add3A_652 = arith.addf %add3A_642, %mul3A_651 : vector<16xf32>
        %get3A_653 = arith.index_cast %rem3A_110 : i32 to index
        %get3A_654 = arith.index_cast %add3A_613 : i32 to index
        %get3A_655 = arith.constant 64 : index
        %get3A_656 = tpu.vector_load %arg15[%get3A_653, %get3A_654, %get3A_655] {strides = array<i32>} : memref<2x128x128xf32, #tpu.memory_space<vmem>>, vector<16xf32>,
        %get3A_657 = arith.index_cast %rem3A_110 : i32 to index
        %get3A_658 = arith.index_cast %add3A_613 : i32 to index
        %get3A_659 = arith.constant 64 : index
        %get3A_660 = tpu.vector_load %arg16[%get3A_657, %get3A_658, %get3A_659] {strides = array<i32>} : memref<2x128x128xf32, #tpu.memory_space<vmem>>, vector<16xf32>,
        %mul3A_661 = arith.mulf %get3A_656, %get3A_660 : vector<16xf32>
        %add3A_662 = arith.addf %add3A_652, %mul3A_661 : vector<16xf32>
        %get3A_663 = arith.index_cast %rem3A_110 : i32 to index
        %get3A_664 = arith.index_cast %add3A_613 : i32 to index
        %get3A_665 = arith.constant 80 : index
        %get3A_666 = tpu.vector_load %arg15[%get3A_663, %get3A_664, %get3A_665] {strides = array<i32>} : memref<2x128x128xf32, #tpu.memory_space<vmem>>, vector<16xf32>,
        %get3A_667 = arith.index_cast %rem3A_110 : i32 to index
        %get3A_668 = arith.index_cast %add3A_613 : i32 to index
        %get3A_669 = arith.constant 80 : index
        %get3A_670 = tpu.vector_load %arg16[%get3A_667, %get3A_668, %get3A_669] {strides = array<i32>} : memref<2x128x128xf32, #tpu.memory_space<vmem>>, vector<16xf32>,
        %mul3A_671 = arith.mulf %get3A_666, %get3A_670 : vector<16xf32>
        %add3A_672 = arith.addf %add3A_662, %mul3A_671 : vector<16xf32>
        %get3A_673 = arith.index_cast %rem3A_110 : i32 to index
        %get3A_674 = arith.index_cast %add3A_613 : i32 to index
        %get3A_675 = arith.constant 96 : index
        %get3A_676 = tpu.vector_load %arg15[%get3A_673, %get3A_674, %get3A_675] {strides = array<i32>} : memref<2x128x128xf32, #tpu.memory_space<vmem>>, vector<16xf32>,
        %get3A_677 = arith.index_cast %rem3A_110 : i32 to index
        %get3A_678 = arith.index_cast %add3A_613 : i32 to index
        %get3A_679 = arith.constant 96 : index
        %get3A_680 = tpu.vector_load %arg16[%get3A_677, %get3A_678, %get3A_679] {strides = array<i32>} : memref<2x128x128xf32, #tpu.memory_space<vmem>>, vector<16xf32>,
        %mul3A_681 = arith.mulf %get3A_676, %get3A_680 : vector<16xf32>
        %add3A_682 = arith.addf %add3A_672, %mul3A_681 : vector<16xf32>
        %get3A_683 = arith.index_cast %rem3A_110 : i32 to index
        %get3A_684 = arith.index_cast %add3A_613 : i32 to index
        %get3A_685 = arith.constant 112 : index
        %get3A_686 = tpu.vector_load %arg15[%get3A_683, %get3A_684, %get3A_685] {strides = array<i32>} : memref<2x128x128xf32, #tpu.memory_space<vmem>>, vector<16xf32>,
        %get3A_687 = arith.index_cast %rem3A_110 : i32 to index
        %get3A_688 = arith.index_cast %add3A_613 : i32 to index
        %get3A_689 = arith.constant 112 : index
        %get3A_690 = tpu.vector_load %arg16[%get3A_687, %get3A_688, %get3A_689] {strides = array<i32>} : memref<2x128x128xf32, #tpu.memory_space<vmem>>, vector<16xf32>,
        %mul3A_691 = arith.mulf %get3A_686, %get3A_690 : vector<16xf32>
        %add3A_692 = arith.addf %add3A_682, %mul3A_691 : vector<16xf32>
        %add3A_693 = arith.constant 85 : i32
        %add3A_694 = arith.addi %mul3A_175, %add3A_693 : i32
        %swap3A_695 = arith.index_cast %add3A_694 : i32 to index
        %swap3A_696 = tpu.vector_load %arg19[%swap3A_695] {strides = array<i32>} : memref<544xf32, #tpu.memory_space<vmem>>, vector<16xf32>,
        tpu.vector_store %arg19[%swap3A_695], %add3A_692 {strides = array<i32>} : memref<544xf32, #tpu.memory_space<vmem>>, vector<16xf32>,
        %mul3A_697 = arith.constant 16 : i32
        %mul3A_698 = arith.muli %scan3A_170, %mul3A_697 : i32
        %add3A_699 = arith.constant 6 : i32
        %add3A_700 = arith.addi %mul3A_698, %add3A_699 : i32
        %get3A_701 = arith.index_cast %rem3A_110 : i32 to index
        %get3A_702 = arith.index_cast %add3A_700 : i32 to index
        %get3A_703 = arith.constant 0 : index
        %get3A_704 = tpu.vector_load %arg15[%get3A_701, %get3A_702, %get3A_703] {strides = array<i32>} : memref<2x128x128xf32, #tpu.memory_space<vmem>>, vector<16xf32>,
        %get3A_705 = arith.index_cast %rem3A_110 : i32 to index
        %get3A_706 = arith.index_cast %add3A_700 : i32 to index
        %get3A_707 = arith.constant 0 : index
        %get3A_708 = tpu.vector_load %arg16[%get3A_705, %get3A_706, %get3A_707] {strides = array<i32>} : memref<2x128x128xf32, #tpu.memory_space<vmem>>, vector<16xf32>,
        %mul3A_709 = arith.mulf %get3A_704, %get3A_708 : vector<16xf32>
        %get3A_710 = arith.index_cast %rem3A_110 : i32 to index
        %get3A_711 = arith.index_cast %add3A_700 : i32 to index
        %get3A_712 = arith.constant 16 : index
        %get3A_713 = tpu.vector_load %arg15[%get3A_710, %get3A_711, %get3A_712] {strides = array<i32>} : memref<2x128x128xf32, #tpu.memory_space<vmem>>, vector<16xf32>,
        %get3A_714 = arith.index_cast %rem3A_110 : i32 to index
        %get3A_715 = arith.index_cast %add3A_700 : i32 to index
        %get3A_716 = arith.constant 16 : index
        %get3A_717 = tpu.vector_load %arg16[%get3A_714, %get3A_715, %get3A_716] {strides = array<i32>} : memref<2x128x128xf32, #tpu.memory_space<vmem>>, vector<16xf32>,
        %mul3A_718 = arith.mulf %get3A_713, %get3A_717 : vector<16xf32>
        %add3A_719 = arith.addf %mul3A_709, %mul3A_718 : vector<16xf32>
        %get3A_720 = arith.index_cast %rem3A_110 : i32 to index
        %get3A_721 = arith.index_cast %add3A_700 : i32 to index
        %get3A_722 = arith.constant 32 : index
        %get3A_723 = tpu.vector_load %arg15[%get3A_720, %get3A_721, %get3A_722] {strides = array<i32>} : memref<2x128x128xf32, #tpu.memory_space<vmem>>, vector<16xf32>,
        %get3A_724 = arith.index_cast %rem3A_110 : i32 to index
        %get3A_725 = arith.index_cast %add3A_700 : i32 to index
        %get3A_726 = arith.constant 32 : index
        %get3A_727 = tpu.vector_load %arg16[%get3A_724, %get3A_725, %get3A_726] {strides = array<i32>} : memref<2x128x128xf32, #tpu.memory_space<vmem>>, vector<16xf32>,
        %mul3A_728 = arith.mulf %get3A_723, %get3A_727 : vector<16xf32>
        %add3A_729 = arith.addf %add3A_719, %mul3A_728 : vector<16xf32>
        %get3A_730 = arith.index_cast %rem3A_110 : i32 to index
        %get3A_731 = arith.index_cast %add3A_700 : i32 to index
        %get3A_732 = arith.constant 48 : index
        %get3A_733 = tpu.vector_load %arg15[%get3A_730, %get3A_731, %get3A_732] {strides = array<i32>} : memref<2x128x128xf32, #tpu.memory_space<vmem>>, vector<16xf32>,
        %get3A_734 = arith.index_cast %rem3A_110 : i32 to index
        %get3A_735 = arith.index_cast %add3A_700 : i32 to index
        %get3A_736 = arith.constant 48 : index
        %get3A_737 = tpu.vector_load %arg16[%get3A_734, %get3A_735, %get3A_736] {strides = array<i32>} : memref<2x128x128xf32, #tpu.memory_space<vmem>>, vector<16xf32>,
        %mul3A_738 = arith.mulf %get3A_733, %get3A_737 : vector<16xf32>
        %add3A_739 = arith.addf %add3A_729, %mul3A_738 : vector<16xf32>
        %get3A_740 = arith.index_cast %rem3A_110 : i32 to index
        %get3A_741 = arith.index_cast %add3A_700 : i32 to index
        %get3A_742 = arith.constant 64 : index
        %get3A_743 = tpu.vector_load %arg15[%get3A_740, %get3A_741, %get3A_742] {strides = array<i32>} : memref<2x128x128xf32, #tpu.memory_space<vmem>>, vector<16xf32>,
        %get3A_744 = arith.index_cast %rem3A_110 : i32 to index
        %get3A_745 = arith.index_cast %add3A_700 : i32 to index
        %get3A_746 = arith.constant 64 : index
        %get3A_747 = tpu.vector_load %arg16[%get3A_744, %get3A_745, %get3A_746] {strides = array<i32>} : memref<2x128x128xf32, #tpu.memory_space<vmem>>, vector<16xf32>,
        %mul3A_748 = arith.mulf %get3A_743, %get3A_747 : vector<16xf32>
        %add3A_749 = arith.addf %add3A_739, %mul3A_748 : vector<16xf32>
        %get3A_750 = arith.index_cast %rem3A_110 : i32 to index
        %get3A_751 = arith.index_cast %add3A_700 : i32 to index
        %get3A_752 = arith.constant 80 : index
        %get3A_753 = tpu.vector_load %arg15[%get3A_750, %get3A_751, %get3A_752] {strides = array<i32>} : memref<2x128x128xf32, #tpu.memory_space<vmem>>, vector<16xf32>,
        %get3A_754 = arith.index_cast %rem3A_110 : i32 to index
        %get3A_755 = arith.index_cast %add3A_700 : i32 to index
        %get3A_756 = arith.constant 80 : index
        %get3A_757 = tpu.vector_load %arg16[%get3A_754, %get3A_755, %get3A_756] {strides = array<i32>} : memref<2x128x128xf32, #tpu.memory_space<vmem>>, vector<16xf32>,
        %mul3A_758 = arith.mulf %get3A_753, %get3A_757 : vector<16xf32>
        %add3A_759 = arith.addf %add3A_749, %mul3A_758 : vector<16xf32>
        %get3A_760 = arith.index_cast %rem3A_110 : i32 to index
        %get3A_761 = arith.index_cast %add3A_700 : i32 to index
        %get3A_762 = arith.constant 96 : index
        %get3A_763 = tpu.vector_load %arg15[%get3A_760, %get3A_761, %get3A_762] {strides = array<i32>} : memref<2x128x128xf32, #tpu.memory_space<vmem>>, vector<16xf32>,
        %get3A_764 = arith.index_cast %rem3A_110 : i32 to index
        %get3A_765 = arith.index_cast %add3A_700 : i32 to index
        %get3A_766 = arith.constant 96 : index
        %get3A_767 = tpu.vector_load %arg16[%get3A_764, %get3A_765, %get3A_766] {strides = array<i32>} : memref<2x128x128xf32, #tpu.memory_space<vmem>>, vector<16xf32>,
        %mul3A_768 = arith.mulf %get3A_763, %get3A_767 : vector<16xf32>
        %add3A_769 = arith.addf %add3A_759, %mul3A_768 : vector<16xf32>
        %get3A_770 = arith.index_cast %rem3A_110 : i32 to index
        %get3A_771 = arith.index_cast %add3A_700 : i32 to index
        %get3A_772 = arith.constant 112 : index
        %get3A_773 = tpu.vector_load %arg15[%get3A_770, %get3A_771, %get3A_772] {strides = array<i32>} : memref<2x128x128xf32, #tpu.memory_space<vmem>>, vector<16xf32>,
        %get3A_774 = arith.index_cast %rem3A_110 : i32 to index
        %get3A_775 = arith.index_cast %add3A_700 : i32 to index
        %get3A_776 = arith.constant 112 : index
        %get3A_777 = tpu.vector_load %arg16[%get3A_774, %get3A_775, %get3A_776] {strides = array<i32>} : memref<2x128x128xf32, #tpu.memory_space<vmem>>, vector<16xf32>,
        %mul3A_778 = arith.mulf %get3A_773, %get3A_777 : vector<16xf32>
        %add3A_779 = arith.addf %add3A_769, %mul3A_778 : vector<16xf32>
        %add3A_780 = arith.constant 102 : i32
        %add3A_781 = arith.addi %mul3A_175, %add3A_780 : i32
        %swap3A_782 = arith.index_cast %add3A_781 : i32 to index
        %swap3A_783 = tpu.vector_load %arg19[%swap3A_782] {strides = array<i32>} : memref<544xf32, #tpu.memory_space<vmem>>, vector<16xf32>,
        tpu.vector_store %arg19[%swap3A_782], %add3A_779 {strides = array<i32>} : memref<544xf32, #tpu.memory_space<vmem>>, vector<16xf32>,
        %mul3A_784 = arith.constant 16 : i32
        %mul3A_785 = arith.muli %scan3A_170, %mul3A_784 : i32
        %add3A_786 = arith.constant 7 : i32
        %add3A_787 = arith.addi %mul3A_785, %add3A_786 : i32
        %get3A_788 = arith.index_cast %rem3A_110 : i32 to index
        %get3A_789 = arith.index_cast %add3A_787 : i32 to index
        %get3A_790 = arith.constant 0 : index
        %get3A_791 = tpu.vector_load %arg15[%get3A_788, %get3A_789, %get3A_790] {strides = array<i32>} : memref<2x128x128xf32, #tpu.memory_space<vmem>>, vector<16xf32>,
        %get3A_792 = arith.index_cast %rem3A_110 : i32 to index
        %get3A_793 = arith.index_cast %add3A_787 : i32 to index
        %get3A_794 = arith.constant 0 : index
        %get3A_795 = tpu.vector_load %arg16[%get3A_792, %get3A_793, %get3A_794] {strides = array<i32>} : memref<2x128x128xf32, #tpu.memory_space<vmem>>, vector<16xf32>,
        %mul3A_796 = arith.mulf %get3A_791, %get3A_795 : vector<16xf32>
        %get3A_797 = arith.index_cast %rem3A_110 : i32 to index
        %get3A_798 = arith.index_cast %add3A_787 : i32 to index
        %get3A_799 = arith.constant 16 : index
        %get3A_800 = tpu.vector_load %arg15[%get3A_797, %get3A_798, %get3A_799] {strides = array<i32>} : memref<2x128x128xf32, #tpu.memory_space<vmem>>, vector<16xf32>,
        %get3A_801 = arith.index_cast %rem3A_110 : i32 to index
        %get3A_802 = arith.index_cast %add3A_787 : i32 to index
        %get3A_803 = arith.constant 16 : index
        %get3A_804 = tpu.vector_load %arg16[%get3A_801, %get3A_802, %get3A_803] {strides = array<i32>} : memref<2x128x128xf32, #tpu.memory_space<vmem>>, vector<16xf32>,
        %mul3A_805 = arith.mulf %get3A_800, %get3A_804 : vector<16xf32>
        %add3A_806 = arith.addf %mul3A_796, %mul3A_805 : vector<16xf32>
        %get3A_807 = arith.index_cast %rem3A_110 : i32 to index
        %get3A_808 = arith.index_cast %add3A_787 : i32 to index
        %get3A_809 = arith.constant 32 : index
        %get3A_810 = tpu.vector_load %arg15[%get3A_807, %get3A_808, %get3A_809] {strides = array<i32>} : memref<2x128x128xf32, #tpu.memory_space<vmem>>, vector<16xf32>,
        %get3A_811 = arith.index_cast %rem3A_110 : i32 to index
        %get3A_812 = arith.index_cast %add3A_787 : i32 to index
        %get3A_813 = arith.constant 32 : index
        %get3A_814 = tpu.vector_load %arg16[%get3A_811, %get3A_812, %get3A_813] {strides = array<i32>} : memref<2x128x128xf32, #tpu.memory_space<vmem>>, vector<16xf32>,
        %mul3A_815 = arith.mulf %get3A_810, %get3A_814 : vector<16xf32>
        %add3A_816 = arith.addf %add3A_806, %mul3A_815 : vector<16xf32>
        %get3A_817 = arith.index_cast %rem3A_110 : i32 to index
        %get3A_818 = arith.index_cast %add3A_787 : i32 to index
        %get3A_819 = arith.constant 48 : index
        %get3A_820 = tpu.vector_load %arg15[%get3A_817, %get3A_818, %get3A_819] {strides = array<i32>} : memref<2x128x128xf32, #tpu.memory_space<vmem>>, vector<16xf32>,
        %get3A_821 = arith.index_cast %rem3A_110 : i32 to index
        %get3A_822 = arith.index_cast %add3A_787 : i32 to index
        %get3A_823 = arith.constant 48 : index
        %get3A_824 = tpu.vector_load %arg16[%get3A_821, %get3A_822, %get3A_823] {strides = array<i32>} : memref<2x128x128xf32, #tpu.memory_space<vmem>>, vector<16xf32>,
        %mul3A_825 = arith.mulf %get3A_820, %get3A_824 : vector<16xf32>
        %add3A_826 = arith.addf %add3A_816, %mul3A_825 : vector<16xf32>
        %get3A_827 = arith.index_cast %rem3A_110 : i32 to index
        %get3A_828 = arith.index_cast %add3A_787 : i32 to index
        %get3A_829 = arith.constant 64 : index
        %get3A_830 = tpu.vector_load %arg15[%get3A_827, %get3A_828, %get3A_829] {strides = array<i32>} : memref<2x128x128xf32, #tpu.memory_space<vmem>>, vector<16xf32>,
        %get3A_831 = arith.index_cast %rem3A_110 : i32 to index
        %get3A_832 = arith.index_cast %add3A_787 : i32 to index
        %get3A_833 = arith.constant 64 : index
        %get3A_834 = tpu.vector_load %arg16[%get3A_831, %get3A_832, %get3A_833] {strides = array<i32>} : memref<2x128x128xf32, #tpu.memory_space<vmem>>, vector<16xf32>,
        %mul3A_835 = arith.mulf %get3A_830, %get3A_834 : vector<16xf32>
        %add3A_836 = arith.addf %add3A_826, %mul3A_835 : vector<16xf32>
        %get3A_837 = arith.index_cast %rem3A_110 : i32 to index
        %get3A_838 = arith.index_cast %add3A_787 : i32 to index
        %get3A_839 = arith.constant 80 : index
        %get3A_840 = tpu.vector_load %arg15[%get3A_837, %get3A_838, %get3A_839] {strides = array<i32>} : memref<2x128x128xf32, #tpu.memory_space<vmem>>, vector<16xf32>,
        %get3A_841 = arith.index_cast %rem3A_110 : i32 to index
        %get3A_842 = arith.index_cast %add3A_787 : i32 to index
        %get3A_843 = arith.constant 80 : index
        %get3A_844 = tpu.vector_load %arg16[%get3A_841, %get3A_842, %get3A_843] {strides = array<i32>} : memref<2x128x128xf32, #tpu.memory_space<vmem>>, vector<16xf32>,
        %mul3A_845 = arith.mulf %get3A_840, %get3A_844 : vector<16xf32>
        %add3A_846 = arith.addf %add3A_836, %mul3A_845 : vector<16xf32>
        %get3A_847 = arith.index_cast %rem3A_110 : i32 to index
        %get3A_848 = arith.index_cast %add3A_787 : i32 to index
        %get3A_849 = arith.constant 96 : index
        %get3A_850 = tpu.vector_load %arg15[%get3A_847, %get3A_848, %get3A_849] {strides = array<i32>} : memref<2x128x128xf32, #tpu.memory_space<vmem>>, vector<16xf32>,
        %get3A_851 = arith.index_cast %rem3A_110 : i32 to index
        %get3A_852 = arith.index_cast %add3A_787 : i32 to index
        %get3A_853 = arith.constant 96 : index
        %get3A_854 = tpu.vector_load %arg16[%get3A_851, %get3A_852, %get3A_853] {strides = array<i32>} : memref<2x128x128xf32, #tpu.memory_space<vmem>>, vector<16xf32>,
        %mul3A_855 = arith.mulf %get3A_850, %get3A_854 : vector<16xf32>
        %add3A_856 = arith.addf %add3A_846, %mul3A_855 : vector<16xf32>
        %get3A_857 = arith.index_cast %rem3A_110 : i32 to index
        %get3A_858 = arith.index_cast %add3A_787 : i32 to index
        %get3A_859 = arith.constant 112 : index
        %get3A_860 = tpu.vector_load %arg15[%get3A_857, %get3A_858, %get3A_859] {strides = array<i32>} : memref<2x128x128xf32, #tpu.memory_space<vmem>>, vector<16xf32>,
        %get3A_861 = arith.index_cast %rem3A_110 : i32 to index
        %get3A_862 = arith.index_cast %add3A_787 : i32 to index
        %get3A_863 = arith.constant 112 : index
        %get3A_864 = tpu.vector_load %arg16[%get3A_861, %get3A_862, %get3A_863] {strides = array<i32>} : memref<2x128x128xf32, #tpu.memory_space<vmem>>, vector<16xf32>,
        %mul3A_865 = arith.mulf %get3A_860, %get3A_864 : vector<16xf32>
        %add3A_866 = arith.addf %add3A_856, %mul3A_865 : vector<16xf32>
        %add3A_867 = arith.constant 119 : i32
        %add3A_868 = arith.addi %mul3A_175, %add3A_867 : i32
        %swap3A_869 = arith.index_cast %add3A_868 : i32 to index
        %swap3A_870 = tpu.vector_load %arg19[%swap3A_869] {strides = array<i32>} : memref<544xf32, #tpu.memory_space<vmem>>, vector<16xf32>,
        tpu.vector_store %arg19[%swap3A_869], %add3A_866 {strides = array<i32>} : memref<544xf32, #tpu.memory_space<vmem>>, vector<16xf32>,
        %mul3A_871 = arith.constant 16 : i32
        %mul3A_872 = arith.muli %scan3A_170, %mul3A_871 : i32
        %add3A_873 = arith.constant 8 : i32
        %add3A_874 = arith.addi %mul3A_872, %add3A_873 : i32
        %get3A_875 = arith.index_cast %rem3A_110 : i32 to index
        %get3A_876 = arith.index_cast %add3A_874 : i32 to index
        %get3A_877 = arith.constant 0 : index
        %get3A_878 = tpu.vector_load %arg15[%get3A_875, %get3A_876, %get3A_877] {strides = array<i32>} : memref<2x128x128xf32, #tpu.memory_space<vmem>>, vector<16xf32>,
        %get3A_879 = arith.index_cast %rem3A_110 : i32 to index
        %get3A_880 = arith.index_cast %add3A_874 : i32 to index
        %get3A_881 = arith.constant 0 : index
        %get3A_882 = tpu.vector_load %arg16[%get3A_879, %get3A_880, %get3A_881] {strides = array<i32>} : memref<2x128x128xf32, #tpu.memory_space<vmem>>, vector<16xf32>,
        %mul3A_883 = arith.mulf %get3A_878, %get3A_882 : vector<16xf32>
        %get3A_884 = arith.index_cast %rem3A_110 : i32 to index
        %get3A_885 = arith.index_cast %add3A_874 : i32 to index
        %get3A_886 = arith.constant 16 : index
        %get3A_887 = tpu.vector_load %arg15[%get3A_884, %get3A_885, %get3A_886] {strides = array<i32>} : memref<2x128x128xf32, #tpu.memory_space<vmem>>, vector<16xf32>,
        %get3A_888 = arith.index_cast %rem3A_110 : i32 to index
        %get3A_889 = arith.index_cast %add3A_874 : i32 to index
        %get3A_890 = arith.constant 16 : index
        %get3A_891 = tpu.vector_load %arg16[%get3A_888, %get3A_889, %get3A_890] {strides = array<i32>} : memref<2x128x128xf32, #tpu.memory_space<vmem>>, vector<16xf32>,
        %mul3A_892 = arith.mulf %get3A_887, %get3A_891 : vector<16xf32>
        %add3A_893 = arith.addf %mul3A_883, %mul3A_892 : vector<16xf32>
        %get3A_894 = arith.index_cast %rem3A_110 : i32 to index
        %get3A_895 = arith.index_cast %add3A_874 : i32 to index
        %get3A_896 = arith.constant 32 : index
        %get3A_897 = tpu.vector_load %arg15[%get3A_894, %get3A_895, %get3A_896] {strides = array<i32>} : memref<2x128x128xf32, #tpu.memory_space<vmem>>, vector<16xf32>,
        %get3A_898 = arith.index_cast %rem3A_110 : i32 to index
        %get3A_899 = arith.index_cast %add3A_874 : i32 to index
        %get3A_900 = arith.constant 32 : index
        %get3A_901 = tpu.vector_load %arg16[%get3A_898, %get3A_899, %get3A_900] {strides = array<i32>} : memref<2x128x128xf32, #tpu.memory_space<vmem>>, vector<16xf32>,
        %mul3A_902 = arith.mulf %get3A_897, %get3A_901 : vector<16xf32>
        %add3A_903 = arith.addf %add3A_893, %mul3A_902 : vector<16xf32>
        %get3A_904 = arith.index_cast %rem3A_110 : i32 to index
        %get3A_905 = arith.index_cast %add3A_874 : i32 to index
        %get3A_906 = arith.constant 48 : index
        %get3A_907 = tpu.vector_load %arg15[%get3A_904, %get3A_905, %get3A_906] {strides = array<i32>} : memref<2x128x128xf32, #tpu.memory_space<vmem>>, vector<16xf32>,
        %get3A_908 = arith.index_cast %rem3A_110 : i32 to index
        %get3A_909 = arith.index_cast %add3A_874 : i32 to index
        %get3A_910 = arith.constant 48 : index
        %get3A_911 = tpu.vector_load %arg16[%get3A_908, %get3A_909, %get3A_910] {strides = array<i32>} : memref<2x128x128xf32, #tpu.memory_space<vmem>>, vector<16xf32>,
        %mul3A_912 = arith.mulf %get3A_907, %get3A_911 : vector<16xf32>
        %add3A_913 = arith.addf %add3A_903, %mul3A_912 : vector<16xf32>
        %get3A_914 = arith.index_cast %rem3A_110 : i32 to index
        %get3A_915 = arith.index_cast %add3A_874 : i32 to index
        %get3A_916 = arith.constant 64 : index
        %get3A_917 = tpu.vector_load %arg15[%get3A_914, %get3A_915, %get3A_916] {strides = array<i32>} : memref<2x128x128xf32, #tpu.memory_space<vmem>>, vector<16xf32>,
        %get3A_918 = arith.index_cast %rem3A_110 : i32 to index
        %get3A_919 = arith.index_cast %add3A_874 : i32 to index
        %get3A_920 = arith.constant 64 : index
        %get3A_921 = tpu.vector_load %arg16[%get3A_918, %get3A_919, %get3A_920] {strides = array<i32>} : memref<2x128x128xf32, #tpu.memory_space<vmem>>, vector<16xf32>,
        %mul3A_922 = arith.mulf %get3A_917, %get3A_921 : vector<16xf32>
        %add3A_923 = arith.addf %add3A_913, %mul3A_922 : vector<16xf32>
        %get3A_924 = arith.index_cast %rem3A_110 : i32 to index
        %get3A_925 = arith.index_cast %add3A_874 : i32 to index
        %get3A_926 = arith.constant 80 : index
        %get3A_927 = tpu.vector_load %arg15[%get3A_924, %get3A_925, %get3A_926] {strides = array<i32>} : memref<2x128x128xf32, #tpu.memory_space<vmem>>, vector<16xf32>,
        %get3A_928 = arith.index_cast %rem3A_110 : i32 to index
        %get3A_929 = arith.index_cast %add3A_874 : i32 to index
        %get3A_930 = arith.constant 80 : index
        %get3A_931 = tpu.vector_load %arg16[%get3A_928, %get3A_929, %get3A_930] {strides = array<i32>} : memref<2x128x128xf32, #tpu.memory_space<vmem>>, vector<16xf32>,
        %mul3A_932 = arith.mulf %get3A_927, %get3A_931 : vector<16xf32>
        %add3A_933 = arith.addf %add3A_923, %mul3A_932 : vector<16xf32>
        %get3A_934 = arith.index_cast %rem3A_110 : i32 to index
        %get3A_935 = arith.index_cast %add3A_874 : i32 to index
        %get3A_936 = arith.constant 96 : index
        %get3A_937 = tpu.vector_load %arg15[%get3A_934, %get3A_935, %get3A_936] {strides = array<i32>} : memref<2x128x128xf32, #tpu.memory_space<vmem>>, vector<16xf32>,
        %get3A_938 = arith.index_cast %rem3A_110 : i32 to index
        %get3A_939 = arith.index_cast %add3A_874 : i32 to index
        %get3A_940 = arith.constant 96 : index
        %get3A_941 = tpu.vector_load %arg16[%get3A_938, %get3A_939, %get3A_940] {strides = array<i32>} : memref<2x128x128xf32, #tpu.memory_space<vmem>>, vector<16xf32>,
        %mul3A_942 = arith.mulf %get3A_937, %get3A_941 : vector<16xf32>
        %add3A_943 = arith.addf %add3A_933, %mul3A_942 : vector<16xf32>
        %get3A_944 = arith.index_cast %rem3A_110 : i32 to index
        %get3A_945 = arith.index_cast %add3A_874 : i32 to index
        %get3A_946 = arith.constant 112 : index
        %get3A_947 = tpu.vector_load %arg15[%get3A_944, %get3A_945, %get3A_946] {strides = array<i32>} : memref<2x128x128xf32, #tpu.memory_space<vmem>>, vector<16xf32>,
        %get3A_948 = arith.index_cast %rem3A_110 : i32 to index
        %get3A_949 = arith.index_cast %add3A_874 : i32 to index
        %get3A_950 = arith.constant 112 : index
        %get3A_951 = tpu.vector_load %arg16[%get3A_948, %get3A_949, %get3A_950] {strides = array<i32>} : memref<2x128x128xf32, #tpu.memory_space<vmem>>, vector<16xf32>,
        %mul3A_952 = arith.mulf %get3A_947, %get3A_951 : vector<16xf32>
        %add3A_953 = arith.addf %add3A_943, %mul3A_952 : vector<16xf32>
        %add3A_954 = arith.constant 136 : i32
        %add3A_955 = arith.addi %mul3A_175, %add3A_954 : i32
        %swap3A_956 = arith.index_cast %add3A_955 : i32 to index
        %swap3A_957 = tpu.vector_load %arg19[%swap3A_956] {strides = array<i32>} : memref<544xf32, #tpu.memory_space<vmem>>, vector<16xf32>,
        tpu.vector_store %arg19[%swap3A_956], %add3A_953 {strides = array<i32>} : memref<544xf32, #tpu.memory_space<vmem>>, vector<16xf32>,
        %mul3A_958 = arith.constant 16 : i32
        %mul3A_959 = arith.muli %scan3A_170, %mul3A_958 : i32
        %add3A_960 = arith.constant 9 : i32
        %add3A_961 = arith.addi %mul3A_959, %add3A_960 : i32
        %get3A_962 = arith.index_cast %rem3A_110 : i32 to index
        %get3A_963 = arith.index_cast %add3A_961 : i32 to index
        %get3A_964 = arith.constant 0 : index
        %get3A_965 = tpu.vector_load %arg15[%get3A_962, %get3A_963, %get3A_964] {strides = array<i32>} : memref<2x128x128xf32, #tpu.memory_space<vmem>>, vector<16xf32>,
        %get3A_966 = arith.index_cast %rem3A_110 : i32 to index
        %get3A_967 = arith.index_cast %add3A_961 : i32 to index
        %get3A_968 = arith.constant 0 : index
        %get3A_969 = tpu.vector_load %arg16[%get3A_966, %get3A_967, %get3A_968] {strides = array<i32>} : memref<2x128x128xf32, #tpu.memory_space<vmem>>, vector<16xf32>,
        %mul3A_970 = arith.mulf %get3A_965, %get3A_969 : vector<16xf32>
        %get3A_971 = arith.index_cast %rem3A_110 : i32 to index
        %get3A_972 = arith.index_cast %add3A_961 : i32 to index
        %get3A_973 = arith.constant 16 : index
        %get3A_974 = tpu.vector_load %arg15[%get3A_971, %get3A_972, %get3A_973] {strides = array<i32>} : memref<2x128x128xf32, #tpu.memory_space<vmem>>, vector<16xf32>,
        %get3A_975 = arith.index_cast %rem3A_110 : i32 to index
        %get3A_976 = arith.index_cast %add3A_961 : i32 to index
        %get3A_977 = arith.constant 16 : index
        %get3A_978 = tpu.vector_load %arg16[%get3A_975, %get3A_976, %get3A_977] {strides = array<i32>} : memref<2x128x128xf32, #tpu.memory_space<vmem>>, vector<16xf32>,
        %mul3A_979 = arith.mulf %get3A_974, %get3A_978 : vector<16xf32>
        %add3A_980 = arith.addf %mul3A_970, %mul3A_979 : vector<16xf32>
        %get3A_981 = arith.index_cast %rem3A_110 : i32 to index
        %get3A_982 = arith.index_cast %add3A_961 : i32 to index
        %get3A_983 = arith.constant 32 : index
        %get3A_984 = tpu.vector_load %arg15[%get3A_981, %get3A_982, %get3A_983] {strides = array<i32>} : memref<2x128x128xf32, #tpu.memory_space<vmem>>, vector<16xf32>,
        %get3A_985 = arith.index_cast %rem3A_110 : i32 to index
        %get3A_986 = arith.index_cast %add3A_961 : i32 to index
        %get3A_987 = arith.constant 32 : index
        %get3A_988 = tpu.vector_load %arg16[%get3A_985, %get3A_986, %get3A_987] {strides = array<i32>} : memref<2x128x128xf32, #tpu.memory_space<vmem>>, vector<16xf32>,
        %mul3A_989 = arith.mulf %get3A_984, %get3A_988 : vector<16xf32>
        %add3A_990 = arith.addf %add3A_980, %mul3A_989 : vector<16xf32>
        %get3A_991 = arith.index_cast %rem3A_110 : i32 to index
        %get3A_992 = arith.index_cast %add3A_961 : i32 to index
        %get3A_993 = arith.constant 48 : index
        %get3A_994 = tpu.vector_load %arg15[%get3A_991, %get3A_992, %get3A_993] {strides = array<i32>} : memref<2x128x128xf32, #tpu.memory_space<vmem>>, vector<16xf32>,
        %get3A_995 = arith.index_cast %rem3A_110 : i32 to index
        %get3A_996 = arith.index_cast %add3A_961 : i32 to index
        %get3A_997 = arith.constant 48 : index
        %get3A_998 = tpu.vector_load %arg16[%get3A_995, %get3A_996, %get3A_997] {strides = array<i32>} : memref<2x128x128xf32, #tpu.memory_space<vmem>>, vector<16xf32>,
        %mul3A_999 = arith.mulf %get3A_994, %get3A_998 : vector<16xf32>
        %add3A_1000 = arith.addf %add3A_990, %mul3A_999 : vector<16xf32>
        %get3A_1001 = arith.index_cast %rem3A_110 : i32 to index
        %get3A_1002 = arith.index_cast %add3A_961 : i32 to index
        %get3A_1003 = arith.constant 64 : index
        %get3A_1004 = tpu.vector_load %arg15[%get3A_1001, %get3A_1002, %get3A_1003] {strides = array<i32>} : memref<2x128x128xf32, #tpu.memory_space<vmem>>, vector<16xf32>,
        %get3A_1005 = arith.index_cast %rem3A_110 : i32 to index
        %get3A_1006 = arith.index_cast %add3A_961 : i32 to index
        %get3A_1007 = arith.constant 64 : index
        %get3A_1008 = tpu.vector_load %arg16[%get3A_1005, %get3A_1006, %get3A_1007] {strides = array<i32>} : memref<2x128x128xf32, #tpu.memory_space<vmem>>, vector<16xf32>,
        %mul3A_1009 = arith.mulf %get3A_1004, %get3A_1008 : vector<16xf32>
        %add3A_1010 = arith.addf %add3A_1000, %mul3A_1009 : vector<16xf32>
        %get3A_1011 = arith.index_cast %rem3A_110 : i32 to index
        %get3A_1012 = arith.index_cast %add3A_961 : i32 to index
        %get3A_1013 = arith.constant 80 : index
        %get3A_1014 = tpu.vector_load %arg15[%get3A_1011, %get3A_1012, %get3A_1013] {strides = array<i32>} : memref<2x128x128xf32, #tpu.memory_space<vmem>>, vector<16xf32>,
        %get3A_1015 = arith.index_cast %rem3A_110 : i32 to index
        %get3A_1016 = arith.index_cast %add3A_961 : i32 to index
        %get3A_1017 = arith.constant 80 : index
        %get3A_1018 = tpu.vector_load %arg16[%get3A_1015, %get3A_1016, %get3A_1017] {strides = array<i32>} : memref<2x128x128xf32, #tpu.memory_space<vmem>>, vector<16xf32>,
        %mul3A_1019 = arith.mulf %get3A_1014, %get3A_1018 : vector<16xf32>
        %add3A_1020 = arith.addf %add3A_1010, %mul3A_1019 : vector<16xf32>
        %get3A_1021 = arith.index_cast %rem3A_110 : i32 to index
        %get3A_1022 = arith.index_cast %add3A_961 : i32 to index
        %get3A_1023 = arith.constant 96 : index
        %get3A_1024 = tpu.vector_load %arg15[%get3A_1021, %get3A_1022, %get3A_1023] {strides = array<i32>} : memref<2x128x128xf32, #tpu.memory_space<vmem>>, vector<16xf32>,
        %get3A_1025 = arith.index_cast %rem3A_110 : i32 to index
        %get3A_1026 = arith.index_cast %add3A_961 : i32 to index
        %get3A_1027 = arith.constant 96 : index
        %get3A_1028 = tpu.vector_load %arg16[%get3A_1025, %get3A_1026, %get3A_1027] {strides = array<i32>} : memref<2x128x128xf32, #tpu.memory_space<vmem>>, vector<16xf32>,
        %mul3A_1029 = arith.mulf %get3A_1024, %get3A_1028 : vector<16xf32>
        %add3A_1030 = arith.addf %add3A_1020, %mul3A_1029 : vector<16xf32>
        %get3A_1031 = arith.index_cast %rem3A_110 : i32 to index
        %get3A_1032 = arith.index_cast %add3A_961 : i32 to index
        %get3A_1033 = arith.constant 112 : index
        %get3A_1034 = tpu.vector_load %arg15[%get3A_1031, %get3A_1032, %get3A_1033] {strides = array<i32>} : memref<2x128x128xf32, #tpu.memory_space<vmem>>, vector<16xf32>,
        %get3A_1035 = arith.index_cast %rem3A_110 : i32 to index
        %get3A_1036 = arith.index_cast %add3A_961 : i32 to index
        %get3A_1037 = arith.constant 112 : index
        %get3A_1038 = tpu.vector_load %arg16[%get3A_1035, %get3A_1036, %get3A_1037] {strides = array<i32>} : memref<2x128x128xf32, #tpu.memory_space<vmem>>, vector<16xf32>,
        %mul3A_1039 = arith.mulf %get3A_1034, %get3A_1038 : vector<16xf32>
        %add3A_1040 = arith.addf %add3A_1030, %mul3A_1039 : vector<16xf32>
        %add3A_1041 = arith.constant 153 : i32
        %add3A_1042 = arith.addi %mul3A_175, %add3A_1041 : i32
        %swap3A_1043 = arith.index_cast %add3A_1042 : i32 to index
        %swap3A_1044 = tpu.vector_load %arg19[%swap3A_1043] {strides = array<i32>} : memref<544xf32, #tpu.memory_space<vmem>>, vector<16xf32>,
        tpu.vector_store %arg19[%swap3A_1043], %add3A_1040 {strides = array<i32>} : memref<544xf32, #tpu.memory_space<vmem>>, vector<16xf32>,
        %mul3A_1045 = arith.constant 16 : i32
        %mul3A_1046 = arith.muli %scan3A_170, %mul3A_1045 : i32
        %add3A_1047 = arith.constant 10 : i32
        %add3A_1048 = arith.addi %mul3A_1046, %add3A_1047 : i32
        %get3A_1049 = arith.index_cast %rem3A_110 : i32 to index
        %get3A_1050 = arith.index_cast %add3A_1048 : i32 to index
        %get3A_1051 = arith.constant 0 : index
        %get3A_1052 = tpu.vector_load %arg15[%get3A_1049, %get3A_1050, %get3A_1051] {strides = array<i32>} : memref<2x128x128xf32, #tpu.memory_space<vmem>>, vector<16xf32>,
        %get3A_1053 = arith.index_cast %rem3A_110 : i32 to index
        %get3A_1054 = arith.index_cast %add3A_1048 : i32 to index
        %get3A_1055 = arith.constant 0 : index
        %get3A_1056 = tpu.vector_load %arg16[%get3A_1053, %get3A_1054, %get3A_1055] {strides = array<i32>} : memref<2x128x128xf32, #tpu.memory_space<vmem>>, vector<16xf32>,
        %mul3A_1057 = arith.mulf %get3A_1052, %get3A_1056 : vector<16xf32>
        %get3A_1058 = arith.index_cast %rem3A_110 : i32 to index
        %get3A_1059 = arith.index_cast %add3A_1048 : i32 to index
        %get3A_1060 = arith.constant 16 : index
        %get3A_1061 = tpu.vector_load %arg15[%get3A_1058, %get3A_1059, %get3A_1060] {strides = array<i32>} : memref<2x128x128xf32, #tpu.memory_space<vmem>>, vector<16xf32>,
        %get3A_1062 = arith.index_cast %rem3A_110 : i32 to index
        %get3A_1063 = arith.index_cast %add3A_1048 : i32 to index
        %get3A_1064 = arith.constant 16 : index
        %get3A_1065 = tpu.vector_load %arg16[%get3A_1062, %get3A_1063, %get3A_1064] {strides = array<i32>} : memref<2x128x128xf32, #tpu.memory_space<vmem>>, vector<16xf32>,
        %mul3A_1066 = arith.mulf %get3A_1061, %get3A_1065 : vector<16xf32>
        %add3A_1067 = arith.addf %mul3A_1057, %mul3A_1066 : vector<16xf32>
        %get3A_1068 = arith.index_cast %rem3A_110 : i32 to index
        %get3A_1069 = arith.index_cast %add3A_1048 : i32 to index
        %get3A_1070 = arith.constant 32 : index
        %get3A_1071 = tpu.vector_load %arg15[%get3A_1068, %get3A_1069, %get3A_1070] {strides = array<i32>} : memref<2x128x128xf32, #tpu.memory_space<vmem>>, vector<16xf32>,
        %get3A_1072 = arith.index_cast %rem3A_110 : i32 to index
        %get3A_1073 = arith.index_cast %add3A_1048 : i32 to index
        %get3A_1074 = arith.constant 32 : index
        %get3A_1075 = tpu.vector_load %arg16[%get3A_1072, %get3A_1073, %get3A_1074] {strides = array<i32>} : memref<2x128x128xf32, #tpu.memory_space<vmem>>, vector<16xf32>,
        %mul3A_1076 = arith.mulf %get3A_1071, %get3A_1075 : vector<16xf32>
        %add3A_1077 = arith.addf %add3A_1067, %mul3A_1076 : vector<16xf32>
        %get3A_1078 = arith.index_cast %rem3A_110 : i32 to index
        %get3A_1079 = arith.index_cast %add3A_1048 : i32 to index
        %get3A_1080 = arith.constant 48 : index
        %get3A_1081 = tpu.vector_load %arg15[%get3A_1078, %get3A_1079, %get3A_1080] {strides = array<i32>} : memref<2x128x128xf32, #tpu.memory_space<vmem>>, vector<16xf32>,
        %get3A_1082 = arith.index_cast %rem3A_110 : i32 to index
        %get3A_1083 = arith.index_cast %add3A_1048 : i32 to index
        %get3A_1084 = arith.constant 48 : index
        %get3A_1085 = tpu.vector_load %arg16[%get3A_1082, %get3A_1083, %get3A_1084] {strides = array<i32>} : memref<2x128x128xf32, #tpu.memory_space<vmem>>, vector<16xf32>,
        %mul3A_1086 = arith.mulf %get3A_1081, %get3A_1085 : vector<16xf32>
        %add3A_1087 = arith.addf %add3A_1077, %mul3A_1086 : vector<16xf32>
        %get3A_1088 = arith.index_cast %rem3A_110 : i32 to index
        %get3A_1089 = arith.index_cast %add3A_1048 : i32 to index
        %get3A_1090 = arith.constant 64 : index
        %get3A_1091 = tpu.vector_load %arg15[%get3A_1088, %get3A_1089, %get3A_1090] {strides = array<i32>} : memref<2x128x128xf32, #tpu.memory_space<vmem>>, vector<16xf32>,
        %get3A_1092 = arith.index_cast %rem3A_110 : i32 to index
        %get3A_1093 = arith.index_cast %add3A_1048 : i32 to index
        %get3A_1094 = arith.constant 64 : index
        %get3A_1095 = tpu.vector_load %arg16[%get3A_1092, %get3A_1093, %get3A_1094] {strides = array<i32>} : memref<2x128x128xf32, #tpu.memory_space<vmem>>, vector<16xf32>,
        %mul3A_1096 = arith.mulf %get3A_1091, %get3A_1095 : vector<16xf32>
        %add3A_1097 = arith.addf %add3A_1087, %mul3A_1096 : vector<16xf32>
        %get3A_1098 = arith.index_cast %rem3A_110 : i32 to index
        %get3A_1099 = arith.index_cast %add3A_1048 : i32 to index
        %get3A_1100 = arith.constant 80 : index
        %get3A_1101 = tpu.vector_load %arg15[%get3A_1098, %get3A_1099, %get3A_1100] {strides = array<i32>} : memref<2x128x128xf32, #tpu.memory_space<vmem>>, vector<16xf32>,
        %get3A_1102 = arith.index_cast %rem3A_110 : i32 to index
        %get3A_1103 = arith.index_cast %add3A_1048 : i32 to index
        %get3A_1104 = arith.constant 80 : index
        %get3A_1105 = tpu.vector_load %arg16[%get3A_1102, %get3A_1103, %get3A_1104] {strides = array<i32>} : memref<2x128x128xf32, #tpu.memory_space<vmem>>, vector<16xf32>,
        %mul3A_1106 = arith.mulf %get3A_1101, %get3A_1105 : vector<16xf32>
        %add3A_1107 = arith.addf %add3A_1097, %mul3A_1106 : vector<16xf32>
        %get3A_1108 = arith.index_cast %rem3A_110 : i32 to index
        %get3A_1109 = arith.index_cast %add3A_1048 : i32 to index
        %get3A_1110 = arith.constant 96 : index
        %get3A_1111 = tpu.vector_load %arg15[%get3A_1108, %get3A_1109, %get3A_1110] {strides = array<i32>} : memref<2x128x128xf32, #tpu.memory_space<vmem>>, vector<16xf32>,
        %get3A_1112 = arith.index_cast %rem3A_110 : i32 to index
        %get3A_1113 = arith.index_cast %add3A_1048 : i32 to index
        %get3A_1114 = arith.constant 96 : index
        %get3A_1115 = tpu.vector_load %arg16[%get3A_1112, %get3A_1113, %get3A_1114] {strides = array<i32>} : memref<2x128x128xf32, #tpu.memory_space<vmem>>, vector<16xf32>,
        %mul3A_1116 = arith.mulf %get3A_1111, %get3A_1115 : vector<16xf32>
        %add3A_1117 = arith.addf %add3A_1107, %mul3A_1116 : vector<16xf32>
        %get3A_1118 = arith.index_cast %rem3A_110 : i32 to index
        %get3A_1119 = arith.index_cast %add3A_1048 : i32 to index
        %get3A_1120 = arith.constant 112 : index
        %get3A_1121 = tpu.vector_load %arg15[%get3A_1118, %get3A_1119, %get3A_1120] {strides = array<i32>} : memref<2x128x128xf32, #tpu.memory_space<vmem>>, vector<16xf32>,
        %get3A_1122 = arith.index_cast %rem3A_110 : i32 to index
        %get3A_1123 = arith.index_cast %add3A_1048 : i32 to index
        %get3A_1124 = arith.constant 112 : index
        %get3A_1125 = tpu.vector_load %arg16[%get3A_1122, %get3A_1123, %get3A_1124] {strides = array<i32>} : memref<2x128x128xf32, #tpu.memory_space<vmem>>, vector<16xf32>,
        %mul3A_1126 = arith.mulf %get3A_1121, %get3A_1125 : vector<16xf32>
        %add3A_1127 = arith.addf %add3A_1117, %mul3A_1126 : vector<16xf32>
        %add3A_1128 = arith.constant 170 : i32
        %add3A_1129 = arith.addi %mul3A_175, %add3A_1128 : i32
        %swap3A_1130 = arith.index_cast %add3A_1129 : i32 to index
        %swap3A_1131 = tpu.vector_load %arg19[%swap3A_1130] {strides = array<i32>} : memref<544xf32, #tpu.memory_space<vmem>>, vector<16xf32>,
        tpu.vector_store %arg19[%swap3A_1130], %add3A_1127 {strides = array<i32>} : memref<544xf32, #tpu.memory_space<vmem>>, vector<16xf32>,
        %mul3A_1132 = arith.constant 16 : i32
        %mul3A_1133 = arith.muli %scan3A_170, %mul3A_1132 : i32
        %add3A_1134 = arith.constant 11 : i32
        %add3A_1135 = arith.addi %mul3A_1133, %add3A_1134 : i32
        %get3A_1136 = arith.index_cast %rem3A_110 : i32 to index
        %get3A_1137 = arith.index_cast %add3A_1135 : i32 to index
        %get3A_1138 = arith.constant 0 : index
        %get3A_1139 = tpu.vector_load %arg15[%get3A_1136, %get3A_1137, %get3A_1138] {strides = array<i32>} : memref<2x128x128xf32, #tpu.memory_space<vmem>>, vector<16xf32>,
        %get3A_1140 = arith.index_cast %rem3A_110 : i32 to index
        %get3A_1141 = arith.index_cast %add3A_1135 : i32 to index
        %get3A_1142 = arith.constant 0 : index
        %get3A_1143 = tpu.vector_load %arg16[%get3A_1140, %get3A_1141, %get3A_1142] {strides = array<i32>} : memref<2x128x128xf32, #tpu.memory_space<vmem>>, vector<16xf32>,
        %mul3A_1144 = arith.mulf %get3A_1139, %get3A_1143 : vector<16xf32>
        %get3A_1145 = arith.index_cast %rem3A_110 : i32 to index
        %get3A_1146 = arith.index_cast %add3A_1135 : i32 to index
        %get3A_1147 = arith.constant 16 : index
        %get3A_1148 = tpu.vector_load %arg15[%get3A_1145, %get3A_1146, %get3A_1147] {strides = array<i32>} : memref<2x128x128xf32, #tpu.memory_space<vmem>>, vector<16xf32>,
        %get3A_1149 = arith.index_cast %rem3A_110 : i32 to index
        %get3A_1150 = arith.index_cast %add3A_1135 : i32 to index
        %get3A_1151 = arith.constant 16 : index
        %get3A_1152 = tpu.vector_load %arg16[%get3A_1149, %get3A_1150, %get3A_1151] {strides = array<i32>} : memref<2x128x128xf32, #tpu.memory_space<vmem>>, vector<16xf32>,
        %mul3A_1153 = arith.mulf %get3A_1148, %get3A_1152 : vector<16xf32>
        %add3A_1154 = arith.addf %mul3A_1144, %mul3A_1153 : vector<16xf32>
        %get3A_1155 = arith.index_cast %rem3A_110 : i32 to index
        %get3A_1156 = arith.index_cast %add3A_1135 : i32 to index
        %get3A_1157 = arith.constant 32 : index
        %get3A_1158 = tpu.vector_load %arg15[%get3A_1155, %get3A_1156, %get3A_1157] {strides = array<i32>} : memref<2x128x128xf32, #tpu.memory_space<vmem>>, vector<16xf32>,
        %get3A_1159 = arith.index_cast %rem3A_110 : i32 to index
        %get3A_1160 = arith.index_cast %add3A_1135 : i32 to index
        %get3A_1161 = arith.constant 32 : index
        %get3A_1162 = tpu.vector_load %arg16[%get3A_1159, %get3A_1160, %get3A_1161] {strides = array<i32>} : memref<2x128x128xf32, #tpu.memory_space<vmem>>, vector<16xf32>,
        %mul3A_1163 = arith.mulf %get3A_1158, %get3A_1162 : vector<16xf32>
        %add3A_1164 = arith.addf %add3A_1154, %mul3A_1163 : vector<16xf32>
        %get3A_1165 = arith.index_cast %rem3A_110 : i32 to index
        %get3A_1166 = arith.index_cast %add3A_1135 : i32 to index
        %get3A_1167 = arith.constant 48 : index
        %get3A_1168 = tpu.vector_load %arg15[%get3A_1165, %get3A_1166, %get3A_1167] {strides = array<i32>} : memref<2x128x128xf32, #tpu.memory_space<vmem>>, vector<16xf32>,
        %get3A_1169 = arith.index_cast %rem3A_110 : i32 to index
        %get3A_1170 = arith.index_cast %add3A_1135 : i32 to index
        %get3A_1171 = arith.constant 48 : index
        %get3A_1172 = tpu.vector_load %arg16[%get3A_1169, %get3A_1170, %get3A_1171] {strides = array<i32>} : memref<2x128x128xf32, #tpu.memory_space<vmem>>, vector<16xf32>,
        %mul3A_1173 = arith.mulf %get3A_1168, %get3A_1172 : vector<16xf32>
        %add3A_1174 = arith.addf %add3A_1164, %mul3A_1173 : vector<16xf32>
        %get3A_1175 = arith.index_cast %rem3A_110 : i32 to index
        %get3A_1176 = arith.index_cast %add3A_1135 : i32 to index
        %get3A_1177 = arith.constant 64 : index
        %get3A_1178 = tpu.vector_load %arg15[%get3A_1175, %get3A_1176, %get3A_1177] {strides = array<i32>} : memref<2x128x128xf32, #tpu.memory_space<vmem>>, vector<16xf32>,
        %get3A_1179 = arith.index_cast %rem3A_110 : i32 to index
        %get3A_1180 = arith.index_cast %add3A_1135 : i32 to index
        %get3A_1181 = arith.constant 64 : index
        %get3A_1182 = tpu.vector_load %arg16[%get3A_1179, %get3A_1180, %get3A_1181] {strides = array<i32>} : memref<2x128x128xf32, #tpu.memory_space<vmem>>, vector<16xf32>,
        %mul3A_1183 = arith.mulf %get3A_1178, %get3A_1182 : vector<16xf32>
        %add3A_1184 = arith.addf %add3A_1174, %mul3A_1183 : vector<16xf32>
        %get3A_1185 = arith.index_cast %rem3A_110 : i32 to index
        %get3A_1186 = arith.index_cast %add3A_1135 : i32 to index
        %get3A_1187 = arith.constant 80 : index
        %get3A_1188 = tpu.vector_load %arg15[%get3A_1185, %get3A_1186, %get3A_1187] {strides = array<i32>} : memref<2x128x128xf32, #tpu.memory_space<vmem>>, vector<16xf32>,
        %get3A_1189 = arith.index_cast %rem3A_110 : i32 to index
        %get3A_1190 = arith.index_cast %add3A_1135 : i32 to index
        %get3A_1191 = arith.constant 80 : index
        %get3A_1192 = tpu.vector_load %arg16[%get3A_1189, %get3A_1190, %get3A_1191] {strides = array<i32>} : memref<2x128x128xf32, #tpu.memory_space<vmem>>, vector<16xf32>,
        %mul3A_1193 = arith.mulf %get3A_1188, %get3A_1192 : vector<16xf32>
        %add3A_1194 = arith.addf %add3A_1184, %mul3A_1193 : vector<16xf32>
        %get3A_1195 = arith.index_cast %rem3A_110 : i32 to index
        %get3A_1196 = arith.index_cast %add3A_1135 : i32 to index
        %get3A_1197 = arith.constant 96 : index
        %get3A_1198 = tpu.vector_load %arg15[%get3A_1195, %get3A_1196, %get3A_1197] {strides = array<i32>} : memref<2x128x128xf32, #tpu.memory_space<vmem>>, vector<16xf32>,
        %get3A_1199 = arith.index_cast %rem3A_110 : i32 to index
        %get3A_1200 = arith.index_cast %add3A_1135 : i32 to index
        %get3A_1201 = arith.constant 96 : index
        %get3A_1202 = tpu.vector_load %arg16[%get3A_1199, %get3A_1200, %get3A_1201] {strides = array<i32>} : memref<2x128x128xf32, #tpu.memory_space<vmem>>, vector<16xf32>,
        %mul3A_1203 = arith.mulf %get3A_1198, %get3A_1202 : vector<16xf32>
        %add3A_1204 = arith.addf %add3A_1194, %mul3A_1203 : vector<16xf32>
        %get3A_1205 = arith.index_cast %rem3A_110 : i32 to index
        %get3A_1206 = arith.index_cast %add3A_1135 : i32 to index
        %get3A_1207 = arith.constant 112 : index
        %get3A_1208 = tpu.vector_load %arg15[%get3A_1205, %get3A_1206, %get3A_1207] {strides = array<i32>} : memref<2x128x128xf32, #tpu.memory_space<vmem>>, vector<16xf32>,
        %get3A_1209 = arith.index_cast %rem3A_110 : i32 to index
        %get3A_1210 = arith.index_cast %add3A_1135 : i32 to index
        %get3A_1211 = arith.constant 112 : index
        %get3A_1212 = tpu.vector_load %arg16[%get3A_1209, %get3A_1210, %get3A_1211] {strides = array<i32>} : memref<2x128x128xf32, #tpu.memory_space<vmem>>, vector<16xf32>,
        %mul3A_1213 = arith.mulf %get3A_1208, %get3A_1212 : vector<16xf32>
        %add3A_1214 = arith.addf %add3A_1204, %mul3A_1213 : vector<16xf32>
        %add3A_1215 = arith.constant 187 : i32
        %add3A_1216 = arith.addi %mul3A_175, %add3A_1215 : i32
        %swap3A_1217 = arith.index_cast %add3A_1216 : i32 to index
        %swap3A_1218 = tpu.vector_load %arg19[%swap3A_1217] {strides = array<i32>} : memref<544xf32, #tpu.memory_space<vmem>>, vector<16xf32>,
        tpu.vector_store %arg19[%swap3A_1217], %add3A_1214 {strides = array<i32>} : memref<544xf32, #tpu.memory_space<vmem>>, vector<16xf32>,
        %mul3A_1219 = arith.constant 16 : i32
        %mul3A_1220 = arith.muli %scan3A_170, %mul3A_1219 : i32
        %add3A_1221 = arith.constant 12 : i32
        %add3A_1222 = arith.addi %mul3A_1220, %add3A_1221 : i32
        %get3A_1223 = arith.index_cast %rem3A_110 : i32 to index
        %get3A_1224 = arith.index_cast %add3A_1222 : i32 to index
        %get3A_1225 = arith.constant 0 : index
        %get3A_1226 = tpu.vector_load %arg15[%get3A_1223, %get3A_1224, %get3A_1225] {strides = array<i32>} : memref<2x128x128xf32, #tpu.memory_space<vmem>>, vector<16xf32>,
        %get3A_1227 = arith.index_cast %rem3A_110 : i32 to index
        %get3A_1228 = arith.index_cast %add3A_1222 : i32 to index
        %get3A_1229 = arith.constant 0 : index
        %get3A_1230 = tpu.vector_load %arg16[%get3A_1227, %get3A_1228, %get3A_1229] {strides = array<i32>} : memref<2x128x128xf32, #tpu.memory_space<vmem>>, vector<16xf32>,
        %mul3A_1231 = arith.mulf %get3A_1226, %get3A_1230 : vector<16xf32>
        %get3A_1232 = arith.index_cast %rem3A_110 : i32 to index
        %get3A_1233 = arith.index_cast %add3A_1222 : i32 to index
        %get3A_1234 = arith.constant 16 : index
        %get3A_1235 = tpu.vector_load %arg15[%get3A_1232, %get3A_1233, %get3A_1234] {strides = array<i32>} : memref<2x128x128xf32, #tpu.memory_space<vmem>>, vector<16xf32>,
        %get3A_1236 = arith.index_cast %rem3A_110 : i32 to index
        %get3A_1237 = arith.index_cast %add3A_1222 : i32 to index
        %get3A_1238 = arith.constant 16 : index
        %get3A_1239 = tpu.vector_load %arg16[%get3A_1236, %get3A_1237, %get3A_1238] {strides = array<i32>} : memref<2x128x128xf32, #tpu.memory_space<vmem>>, vector<16xf32>,
        %mul3A_1240 = arith.mulf %get3A_1235, %get3A_1239 : vector<16xf32>
        %add3A_1241 = arith.addf %mul3A_1231, %mul3A_1240 : vector<16xf32>
        %get3A_1242 = arith.index_cast %rem3A_110 : i32 to index
        %get3A_1243 = arith.index_cast %add3A_1222 : i32 to index
        %get3A_1244 = arith.constant 32 : index
        %get3A_1245 = tpu.vector_load %arg15[%get3A_1242, %get3A_1243, %get3A_1244] {strides = array<i32>} : memref<2x128x128xf32, #tpu.memory_space<vmem>>, vector<16xf32>,
        %get3A_1246 = arith.index_cast %rem3A_110 : i32 to index
        %get3A_1247 = arith.index_cast %add3A_1222 : i32 to index
        %get3A_1248 = arith.constant 32 : index
        %get3A_1249 = tpu.vector_load %arg16[%get3A_1246, %get3A_1247, %get3A_1248] {strides = array<i32>} : memref<2x128x128xf32, #tpu.memory_space<vmem>>, vector<16xf32>,
        %mul3A_1250 = arith.mulf %get3A_1245, %get3A_1249 : vector<16xf32>
        %add3A_1251 = arith.addf %add3A_1241, %mul3A_1250 : vector<16xf32>
        %get3A_1252 = arith.index_cast %rem3A_110 : i32 to index
        %get3A_1253 = arith.index_cast %add3A_1222 : i32 to index
        %get3A_1254 = arith.constant 48 : index
        %get3A_1255 = tpu.vector_load %arg15[%get3A_1252, %get3A_1253, %get3A_1254] {strides = array<i32>} : memref<2x128x128xf32, #tpu.memory_space<vmem>>, vector<16xf32>,
        %get3A_1256 = arith.index_cast %rem3A_110 : i32 to index
        %get3A_1257 = arith.index_cast %add3A_1222 : i32 to index
        %get3A_1258 = arith.constant 48 : index
        %get3A_1259 = tpu.vector_load %arg16[%get3A_1256, %get3A_1257, %get3A_1258] {strides = array<i32>} : memref<2x128x128xf32, #tpu.memory_space<vmem>>, vector<16xf32>,
        %mul3A_1260 = arith.mulf %get3A_1255, %get3A_1259 : vector<16xf32>
        %add3A_1261 = arith.addf %add3A_1251, %mul3A_1260 : vector<16xf32>
        %get3A_1262 = arith.index_cast %rem3A_110 : i32 to index
        %get3A_1263 = arith.index_cast %add3A_1222 : i32 to index
        %get3A_1264 = arith.constant 64 : index
        %get3A_1265 = tpu.vector_load %arg15[%get3A_1262, %get3A_1263, %get3A_1264] {strides = array<i32>} : memref<2x128x128xf32, #tpu.memory_space<vmem>>, vector<16xf32>,
        %get3A_1266 = arith.index_cast %rem3A_110 : i32 to index
        %get3A_1267 = arith.index_cast %add3A_1222 : i32 to index
        %get3A_1268 = arith.constant 64 : index
        %get3A_1269 = tpu.vector_load %arg16[%get3A_1266, %get3A_1267, %get3A_1268] {strides = array<i32>} : memref<2x128x128xf32, #tpu.memory_space<vmem>>, vector<16xf32>,
        %mul3A_1270 = arith.mulf %get3A_1265, %get3A_1269 : vector<16xf32>
        %add3A_1271 = arith.addf %add3A_1261, %mul3A_1270 : vector<16xf32>
        %get3A_1272 = arith.index_cast %rem3A_110 : i32 to index
        %get3A_1273 = arith.index_cast %add3A_1222 : i32 to index
        %get3A_1274 = arith.constant 80 : index
        %get3A_1275 = tpu.vector_load %arg15[%get3A_1272, %get3A_1273, %get3A_1274] {strides = array<i32>} : memref<2x128x128xf32, #tpu.memory_space<vmem>>, vector<16xf32>,
        %get3A_1276 = arith.index_cast %rem3A_110 : i32 to index
        %get3A_1277 = arith.index_cast %add3A_1222 : i32 to index
        %get3A_1278 = arith.constant 80 : index
        %get3A_1279 = tpu.vector_load %arg16[%get3A_1276, %get3A_1277, %get3A_1278] {strides = array<i32>} : memref<2x128x128xf32, #tpu.memory_space<vmem>>, vector<16xf32>,
        %mul3A_1280 = arith.mulf %get3A_1275, %get3A_1279 : vector<16xf32>
        %add3A_1281 = arith.addf %add3A_1271, %mul3A_1280 : vector<16xf32>
        %get3A_1282 = arith.index_cast %rem3A_110 : i32 to index
        %get3A_1283 = arith.index_cast %add3A_1222 : i32 to index
        %get3A_1284 = arith.constant 96 : index
        %get3A_1285 = tpu.vector_load %arg15[%get3A_1282, %get3A_1283, %get3A_1284] {strides = array<i32>} : memref<2x128x128xf32, #tpu.memory_space<vmem>>, vector<16xf32>,
        %get3A_1286 = arith.index_cast %rem3A_110 : i32 to index
        %get3A_1287 = arith.index_cast %add3A_1222 : i32 to index
        %get3A_1288 = arith.constant 96 : index
        %get3A_1289 = tpu.vector_load %arg16[%get3A_1286, %get3A_1287, %get3A_1288] {strides = array<i32>} : memref<2x128x128xf32, #tpu.memory_space<vmem>>, vector<16xf32>,
        %mul3A_1290 = arith.mulf %get3A_1285, %get3A_1289 : vector<16xf32>
        %add3A_1291 = arith.addf %add3A_1281, %mul3A_1290 : vector<16xf32>
        %get3A_1292 = arith.index_cast %rem3A_110 : i32 to index
        %get3A_1293 = arith.index_cast %add3A_1222 : i32 to index
        %get3A_1294 = arith.constant 112 : index
        %get3A_1295 = tpu.vector_load %arg15[%get3A_1292, %get3A_1293, %get3A_1294] {strides = array<i32>} : memref<2x128x128xf32, #tpu.memory_space<vmem>>, vector<16xf32>,
        %get3A_1296 = arith.index_cast %rem3A_110 : i32 to index
        %get3A_1297 = arith.index_cast %add3A_1222 : i32 to index
        %get3A_1298 = arith.constant 112 : index
        %get3A_1299 = tpu.vector_load %arg16[%get3A_1296, %get3A_1297, %get3A_1298] {strides = array<i32>} : memref<2x128x128xf32, #tpu.memory_space<vmem>>, vector<16xf32>,
        %mul3A_1300 = arith.mulf %get3A_1295, %get3A_1299 : vector<16xf32>
        %add3A_1301 = arith.addf %add3A_1291, %mul3A_1300 : vector<16xf32>
        %add3A_1302 = arith.constant 204 : i32
        %add3A_1303 = arith.addi %mul3A_175, %add3A_1302 : i32
        %swap3A_1304 = arith.index_cast %add3A_1303 : i32 to index
        %swap3A_1305 = tpu.vector_load %arg19[%swap3A_1304] {strides = array<i32>} : memref<544xf32, #tpu.memory_space<vmem>>, vector<16xf32>,
        tpu.vector_store %arg19[%swap3A_1304], %add3A_1301 {strides = array<i32>} : memref<544xf32, #tpu.memory_space<vmem>>, vector<16xf32>,
        %mul3A_1306 = arith.constant 16 : i32
        %mul3A_1307 = arith.muli %scan3A_170, %mul3A_1306 : i32
        %add3A_1308 = arith.constant 13 : i32
        %add3A_1309 = arith.addi %mul3A_1307, %add3A_1308 : i32
        %get3A_1310 = arith.index_cast %rem3A_110 : i32 to index
        %get3A_1311 = arith.index_cast %add3A_1309 : i32 to index
        %get3A_1312 = arith.constant 0 : index
        %get3A_1313 = tpu.vector_load %arg15[%get3A_1310, %get3A_1311, %get3A_1312] {strides = array<i32>} : memref<2x128x128xf32, #tpu.memory_space<vmem>>, vector<16xf32>,
        %get3A_1314 = arith.index_cast %rem3A_110 : i32 to index
        %get3A_1315 = arith.index_cast %add3A_1309 : i32 to index
        %get3A_1316 = arith.constant 0 : index
        %get3A_1317 = tpu.vector_load %arg16[%get3A_1314, %get3A_1315, %get3A_1316] {strides = array<i32>} : memref<2x128x128xf32, #tpu.memory_space<vmem>>, vector<16xf32>,
        %mul3A_1318 = arith.mulf %get3A_1313, %get3A_1317 : vector<16xf32>
        %get3A_1319 = arith.index_cast %rem3A_110 : i32 to index
        %get3A_1320 = arith.index_cast %add3A_1309 : i32 to index
        %get3A_1321 = arith.constant 16 : index
        %get3A_1322 = tpu.vector_load %arg15[%get3A_1319, %get3A_1320, %get3A_1321] {strides = array<i32>} : memref<2x128x128xf32, #tpu.memory_space<vmem>>, vector<16xf32>,
        %get3A_1323 = arith.index_cast %rem3A_110 : i32 to index
        %get3A_1324 = arith.index_cast %add3A_1309 : i32 to index
        %get3A_1325 = arith.constant 16 : index
        %get3A_1326 = tpu.vector_load %arg16[%get3A_1323, %get3A_1324, %get3A_1325] {strides = array<i32>} : memref<2x128x128xf32, #tpu.memory_space<vmem>>, vector<16xf32>,
        %mul3A_1327 = arith.mulf %get3A_1322, %get3A_1326 : vector<16xf32>
        %add3A_1328 = arith.addf %mul3A_1318, %mul3A_1327 : vector<16xf32>
        %get3A_1329 = arith.index_cast %rem3A_110 : i32 to index
        %get3A_1330 = arith.index_cast %add3A_1309 : i32 to index
        %get3A_1331 = arith.constant 32 : index
        %get3A_1332 = tpu.vector_load %arg15[%get3A_1329, %get3A_1330, %get3A_1331] {strides = array<i32>} : memref<2x128x128xf32, #tpu.memory_space<vmem>>, vector<16xf32>,
        %get3A_1333 = arith.index_cast %rem3A_110 : i32 to index
        %get3A_1334 = arith.index_cast %add3A_1309 : i32 to index
        %get3A_1335 = arith.constant 32 : index
        %get3A_1336 = tpu.vector_load %arg16[%get3A_1333, %get3A_1334, %get3A_1335] {strides = array<i32>} : memref<2x128x128xf32, #tpu.memory_space<vmem>>, vector<16xf32>,
        %mul3A_1337 = arith.mulf %get3A_1332, %get3A_1336 : vector<16xf32>
        %add3A_1338 = arith.addf %add3A_1328, %mul3A_1337 : vector<16xf32>
        %get3A_1339 = arith.index_cast %rem3A_110 : i32 to index
        %get3A_1340 = arith.index_cast %add3A_1309 : i32 to index
        %get3A_1341 = arith.constant 48 : index
        %get3A_1342 = tpu.vector_load %arg15[%get3A_1339, %get3A_1340, %get3A_1341] {strides = array<i32>} : memref<2x128x128xf32, #tpu.memory_space<vmem>>, vector<16xf32>,
        %get3A_1343 = arith.index_cast %rem3A_110 : i32 to index
        %get3A_1344 = arith.index_cast %add3A_1309 : i32 to index
        %get3A_1345 = arith.constant 48 : index
        %get3A_1346 = tpu.vector_load %arg16[%get3A_1343, %get3A_1344, %get3A_1345] {strides = array<i32>} : memref<2x128x128xf32, #tpu.memory_space<vmem>>, vector<16xf32>,
        %mul3A_1347 = arith.mulf %get3A_1342, %get3A_1346 : vector<16xf32>
        %add3A_1348 = arith.addf %add3A_1338, %mul3A_1347 : vector<16xf32>
        %get3A_1349 = arith.index_cast %rem3A_110 : i32 to index
        %get3A_1350 = arith.index_cast %add3A_1309 : i32 to index
        %get3A_1351 = arith.constant 64 : index
        %get3A_1352 = tpu.vector_load %arg15[%get3A_1349, %get3A_1350, %get3A_1351] {strides = array<i32>} : memref<2x128x128xf32, #tpu.memory_space<vmem>>, vector<16xf32>,
        %get3A_1353 = arith.index_cast %rem3A_110 : i32 to index
        %get3A_1354 = arith.index_cast %add3A_1309 : i32 to index
        %get3A_1355 = arith.constant 64 : index
        %get3A_1356 = tpu.vector_load %arg16[%get3A_1353, %get3A_1354, %get3A_1355] {strides = array<i32>} : memref<2x128x128xf32, #tpu.memory_space<vmem>>, vector<16xf32>,
        %mul3A_1357 = arith.mulf %get3A_1352, %get3A_1356 : vector<16xf32>
        %add3A_1358 = arith.addf %add3A_1348, %mul3A_1357 : vector<16xf32>
        %get3A_1359 = arith.index_cast %rem3A_110 : i32 to index
        %get3A_1360 = arith.index_cast %add3A_1309 : i32 to index
        %get3A_1361 = arith.constant 80 : index
        %get3A_1362 = tpu.vector_load %arg15[%get3A_1359, %get3A_1360, %get3A_1361] {strides = array<i32>} : memref<2x128x128xf32, #tpu.memory_space<vmem>>, vector<16xf32>,
        %get3A_1363 = arith.index_cast %rem3A_110 : i32 to index
        %get3A_1364 = arith.index_cast %add3A_1309 : i32 to index
        %get3A_1365 = arith.constant 80 : index
        %get3A_1366 = tpu.vector_load %arg16[%get3A_1363, %get3A_1364, %get3A_1365] {strides = array<i32>} : memref<2x128x128xf32, #tpu.memory_space<vmem>>, vector<16xf32>,
        %mul3A_1367 = arith.mulf %get3A_1362, %get3A_1366 : vector<16xf32>
        %add3A_1368 = arith.addf %add3A_1358, %mul3A_1367 : vector<16xf32>
        %get3A_1369 = arith.index_cast %rem3A_110 : i32 to index
        %get3A_1370 = arith.index_cast %add3A_1309 : i32 to index
        %get3A_1371 = arith.constant 96 : index
        %get3A_1372 = tpu.vector_load %arg15[%get3A_1369, %get3A_1370, %get3A_1371] {strides = array<i32>} : memref<2x128x128xf32, #tpu.memory_space<vmem>>, vector<16xf32>,
        %get3A_1373 = arith.index_cast %rem3A_110 : i32 to index
        %get3A_1374 = arith.index_cast %add3A_1309 : i32 to index
        %get3A_1375 = arith.constant 96 : index
        %get3A_1376 = tpu.vector_load %arg16[%get3A_1373, %get3A_1374, %get3A_1375] {strides = array<i32>} : memref<2x128x128xf32, #tpu.memory_space<vmem>>, vector<16xf32>,
        %mul3A_1377 = arith.mulf %get3A_1372, %get3A_1376 : vector<16xf32>
        %add3A_1378 = arith.addf %add3A_1368, %mul3A_1377 : vector<16xf32>
        %get3A_1379 = arith.index_cast %rem3A_110 : i32 to index
        %get3A_1380 = arith.index_cast %add3A_1309 : i32 to index
        %get3A_1381 = arith.constant 112 : index
        %get3A_1382 = tpu.vector_load %arg15[%get3A_1379, %get3A_1380, %get3A_1381] {strides = array<i32>} : memref<2x128x128xf32, #tpu.memory_space<vmem>>, vector<16xf32>,
        %get3A_1383 = arith.index_cast %rem3A_110 : i32 to index
        %get3A_1384 = arith.index_cast %add3A_1309 : i32 to index
        %get3A_1385 = arith.constant 112 : index
        %get3A_1386 = tpu.vector_load %arg16[%get3A_1383, %get3A_1384, %get3A_1385] {strides = array<i32>} : memref<2x128x128xf32, #tpu.memory_space<vmem>>, vector<16xf32>,
        %mul3A_1387 = arith.mulf %get3A_1382, %get3A_1386 : vector<16xf32>
        %add3A_1388 = arith.addf %add3A_1378, %mul3A_1387 : vector<16xf32>
        %add3A_1389 = arith.constant 221 : i32
        %add3A_1390 = arith.addi %mul3A_175, %add3A_1389 : i32
        %swap3A_1391 = arith.index_cast %add3A_1390 : i32 to index
        %swap3A_1392 = tpu.vector_load %arg19[%swap3A_1391] {strides = array<i32>} : memref<544xf32, #tpu.memory_space<vmem>>, vector<16xf32>,
        tpu.vector_store %arg19[%swap3A_1391], %add3A_1388 {strides = array<i32>} : memref<544xf32, #tpu.memory_space<vmem>>, vector<16xf32>,
        %mul3A_1393 = arith.constant 16 : i32
        %mul3A_1394 = arith.muli %scan3A_170, %mul3A_1393 : i32
        %add3A_1395 = arith.constant 14 : i32
        %add3A_1396 = arith.addi %mul3A_1394, %add3A_1395 : i32
        %get3A_1397 = arith.index_cast %rem3A_110 : i32 to index
        %get3A_1398 = arith.index_cast %add3A_1396 : i32 to index
        %get3A_1399 = arith.constant 0 : index
        %get3A_1400 = tpu.vector_load %arg15[%get3A_1397, %get3A_1398, %get3A_1399] {strides = array<i32>} : memref<2x128x128xf32, #tpu.memory_space<vmem>>, vector<16xf32>,
        %get3A_1401 = arith.index_cast %rem3A_110 : i32 to index
        %get3A_1402 = arith.index_cast %add3A_1396 : i32 to index
        %get3A_1403 = arith.constant 0 : index
        %get3A_1404 = tpu.vector_load %arg16[%get3A_1401, %get3A_1402, %get3A_1403] {strides = array<i32>} : memref<2x128x128xf32, #tpu.memory_space<vmem>>, vector<16xf32>,
        %mul3A_1405 = arith.mulf %get3A_1400, %get3A_1404 : vector<16xf32>
        %get3A_1406 = arith.index_cast %rem3A_110 : i32 to index
        %get3A_1407 = arith.index_cast %add3A_1396 : i32 to index
        %get3A_1408 = arith.constant 16 : index
        %get3A_1409 = tpu.vector_load %arg15[%get3A_1406, %get3A_1407, %get3A_1408] {strides = array<i32>} : memref<2x128x128xf32, #tpu.memory_space<vmem>>, vector<16xf32>,
        %get3A_1410 = arith.index_cast %rem3A_110 : i32 to index
        %get3A_1411 = arith.index_cast %add3A_1396 : i32 to index
        %get3A_1412 = arith.constant 16 : index
        %get3A_1413 = tpu.vector_load %arg16[%get3A_1410, %get3A_1411, %get3A_1412] {strides = array<i32>} : memref<2x128x128xf32, #tpu.memory_space<vmem>>, vector<16xf32>,
        %mul3A_1414 = arith.mulf %get3A_1409, %get3A_1413 : vector<16xf32>
        %add3A_1415 = arith.addf %mul3A_1405, %mul3A_1414 : vector<16xf32>
        %get3A_1416 = arith.index_cast %rem3A_110 : i32 to index
        %get3A_1417 = arith.index_cast %add3A_1396 : i32 to index
        %get3A_1418 = arith.constant 32 : index
        %get3A_1419 = tpu.vector_load %arg15[%get3A_1416, %get3A_1417, %get3A_1418] {strides = array<i32>} : memref<2x128x128xf32, #tpu.memory_space<vmem>>, vector<16xf32>,
        %get3A_1420 = arith.index_cast %rem3A_110 : i32 to index
        %get3A_1421 = arith.index_cast %add3A_1396 : i32 to index
        %get3A_1422 = arith.constant 32 : index
        %get3A_1423 = tpu.vector_load %arg16[%get3A_1420, %get3A_1421, %get3A_1422] {strides = array<i32>} : memref<2x128x128xf32, #tpu.memory_space<vmem>>, vector<16xf32>,
        %mul3A_1424 = arith.mulf %get3A_1419, %get3A_1423 : vector<16xf32>
        %add3A_1425 = arith.addf %add3A_1415, %mul3A_1424 : vector<16xf32>
        %get3A_1426 = arith.index_cast %rem3A_110 : i32 to index
        %get3A_1427 = arith.index_cast %add3A_1396 : i32 to index
        %get3A_1428 = arith.constant 48 : index
        %get3A_1429 = tpu.vector_load %arg15[%get3A_1426, %get3A_1427, %get3A_1428] {strides = array<i32>} : memref<2x128x128xf32, #tpu.memory_space<vmem>>, vector<16xf32>,
        %get3A_1430 = arith.index_cast %rem3A_110 : i32 to index
        %get3A_1431 = arith.index_cast %add3A_1396 : i32 to index
        %get3A_1432 = arith.constant 48 : index
        %get3A_1433 = tpu.vector_load %arg16[%get3A_1430, %get3A_1431, %get3A_1432] {strides = array<i32>} : memref<2x128x128xf32, #tpu.memory_space<vmem>>, vector<16xf32>,
        %mul3A_1434 = arith.mulf %get3A_1429, %get3A_1433 : vector<16xf32>
        %add3A_1435 = arith.addf %add3A_1425, %mul3A_1434 : vector<16xf32>
        %get3A_1436 = arith.index_cast %rem3A_110 : i32 to index
        %get3A_1437 = arith.index_cast %add3A_1396 : i32 to index
        %get3A_1438 = arith.constant 64 : index
        %get3A_1439 = tpu.vector_load %arg15[%get3A_1436, %get3A_1437, %get3A_1438] {strides = array<i32>} : memref<2x128x128xf32, #tpu.memory_space<vmem>>, vector<16xf32>,
        %get3A_1440 = arith.index_cast %rem3A_110 : i32 to index
        %get3A_1441 = arith.index_cast %add3A_1396 : i32 to index
        %get3A_1442 = arith.constant 64 : index
        %get3A_1443 = tpu.vector_load %arg16[%get3A_1440, %get3A_1441, %get3A_1442] {strides = array<i32>} : memref<2x128x128xf32, #tpu.memory_space<vmem>>, vector<16xf32>,
        %mul3A_1444 = arith.mulf %get3A_1439, %get3A_1443 : vector<16xf32>
        %add3A_1445 = arith.addf %add3A_1435, %mul3A_1444 : vector<16xf32>
        %get3A_1446 = arith.index_cast %rem3A_110 : i32 to index
        %get3A_1447 = arith.index_cast %add3A_1396 : i32 to index
        %get3A_1448 = arith.constant 80 : index
        %get3A_1449 = tpu.vector_load %arg15[%get3A_1446, %get3A_1447, %get3A_1448] {strides = array<i32>} : memref<2x128x128xf32, #tpu.memory_space<vmem>>, vector<16xf32>,
        %get3A_1450 = arith.index_cast %rem3A_110 : i32 to index
        %get3A_1451 = arith.index_cast %add3A_1396 : i32 to index
        %get3A_1452 = arith.constant 80 : index
        %get3A_1453 = tpu.vector_load %arg16[%get3A_1450, %get3A_1451, %get3A_1452] {strides = array<i32>} : memref<2x128x128xf32, #tpu.memory_space<vmem>>, vector<16xf32>,
        %mul3A_1454 = arith.mulf %get3A_1449, %get3A_1453 : vector<16xf32>
        %add3A_1455 = arith.addf %add3A_1445, %mul3A_1454 : vector<16xf32>
        %get3A_1456 = arith.index_cast %rem3A_110 : i32 to index
        %get3A_1457 = arith.index_cast %add3A_1396 : i32 to index
        %get3A_1458 = arith.constant 96 : index
        %get3A_1459 = tpu.vector_load %arg15[%get3A_1456, %get3A_1457, %get3A_1458] {strides = array<i32>} : memref<2x128x128xf32, #tpu.memory_space<vmem>>, vector<16xf32>,
        %get3A_1460 = arith.index_cast %rem3A_110 : i32 to index
        %get3A_1461 = arith.index_cast %add3A_1396 : i32 to index
        %get3A_1462 = arith.constant 96 : index
        %get3A_1463 = tpu.vector_load %arg16[%get3A_1460, %get3A_1461, %get3A_1462] {strides = array<i32>} : memref<2x128x128xf32, #tpu.memory_space<vmem>>, vector<16xf32>,
        %mul3A_1464 = arith.mulf %get3A_1459, %get3A_1463 : vector<16xf32>
        %add3A_1465 = arith.addf %add3A_1455, %mul3A_1464 : vector<16xf32>
        %get3A_1466 = arith.index_cast %rem3A_110 : i32 to index
        %get3A_1467 = arith.index_cast %add3A_1396 : i32 to index
        %get3A_1468 = arith.constant 112 : index
        %get3A_1469 = tpu.vector_load %arg15[%get3A_1466, %get3A_1467, %get3A_1468] {strides = array<i32>} : memref<2x128x128xf32, #tpu.memory_space<vmem>>, vector<16xf32>,
        %get3A_1470 = arith.index_cast %rem3A_110 : i32 to index
        %get3A_1471 = arith.index_cast %add3A_1396 : i32 to index
        %get3A_1472 = arith.constant 112 : index
        %get3A_1473 = tpu.vector_load %arg16[%get3A_1470, %get3A_1471, %get3A_1472] {strides = array<i32>} : memref<2x128x128xf32, #tpu.memory_space<vmem>>, vector<16xf32>,
        %mul3A_1474 = arith.mulf %get3A_1469, %get3A_1473 : vector<16xf32>
        %add3A_1475 = arith.addf %add3A_1465, %mul3A_1474 : vector<16xf32>
        %add3A_1476 = arith.constant 238 : i32
        %add3A_1477 = arith.addi %mul3A_175, %add3A_1476 : i32
        %swap3A_1478 = arith.index_cast %add3A_1477 : i32 to index
        %swap3A_1479 = tpu.vector_load %arg19[%swap3A_1478] {strides = array<i32>} : memref<544xf32, #tpu.memory_space<vmem>>, vector<16xf32>,
        tpu.vector_store %arg19[%swap3A_1478], %add3A_1475 {strides = array<i32>} : memref<544xf32, #tpu.memory_space<vmem>>, vector<16xf32>,
        %mul3A_1480 = arith.constant 16 : i32
        %mul3A_1481 = arith.muli %scan3A_170, %mul3A_1480 : i32
        %add3A_1482 = arith.constant 15 : i32
        %add3A_1483 = arith.addi %mul3A_1481, %add3A_1482 : i32
        %get3A_1484 = arith.index_cast %rem3A_110 : i32 to index
        %get3A_1485 = arith.index_cast %add3A_1483 : i32 to index
        %get3A_1486 = arith.constant 0 : index
        %get3A_1487 = tpu.vector_load %arg15[%get3A_1484, %get3A_1485, %get3A_1486] {strides = array<i32>} : memref<2x128x128xf32, #tpu.memory_space<vmem>>, vector<16xf32>,
        %get3A_1488 = arith.index_cast %rem3A_110 : i32 to index
        %get3A_1489 = arith.index_cast %add3A_1483 : i32 to index
        %get3A_1490 = arith.constant 0 : index
        %get3A_1491 = tpu.vector_load %arg16[%get3A_1488, %get3A_1489, %get3A_1490] {strides = array<i32>} : memref<2x128x128xf32, #tpu.memory_space<vmem>>, vector<16xf32>,
        %mul3A_1492 = arith.mulf %get3A_1487, %get3A_1491 : vector<16xf32>
        %get3A_1493 = arith.index_cast %rem3A_110 : i32 to index
        %get3A_1494 = arith.index_cast %add3A_1483 : i32 to index
        %get3A_1495 = arith.constant 16 : index
        %get3A_1496 = tpu.vector_load %arg15[%get3A_1493, %get3A_1494, %get3A_1495] {strides = array<i32>} : memref<2x128x128xf32, #tpu.memory_space<vmem>>, vector<16xf32>,
        %get3A_1497 = arith.index_cast %rem3A_110 : i32 to index
        %get3A_1498 = arith.index_cast %add3A_1483 : i32 to index
        %get3A_1499 = arith.constant 16 : index
        %get3A_1500 = tpu.vector_load %arg16[%get3A_1497, %get3A_1498, %get3A_1499] {strides = array<i32>} : memref<2x128x128xf32, #tpu.memory_space<vmem>>, vector<16xf32>,
        %mul3A_1501 = arith.mulf %get3A_1496, %get3A_1500 : vector<16xf32>
        %add3A_1502 = arith.addf %mul3A_1492, %mul3A_1501 : vector<16xf32>
        %get3A_1503 = arith.index_cast %rem3A_110 : i32 to index
        %get3A_1504 = arith.index_cast %add3A_1483 : i32 to index
        %get3A_1505 = arith.constant 32 : index
        %get3A_1506 = tpu.vector_load %arg15[%get3A_1503, %get3A_1504, %get3A_1505] {strides = array<i32>} : memref<2x128x128xf32, #tpu.memory_space<vmem>>, vector<16xf32>,
        %get3A_1507 = arith.index_cast %rem3A_110 : i32 to index
        %get3A_1508 = arith.index_cast %add3A_1483 : i32 to index
        %get3A_1509 = arith.constant 32 : index
        %get3A_1510 = tpu.vector_load %arg16[%get3A_1507, %get3A_1508, %get3A_1509] {strides = array<i32>} : memref<2x128x128xf32, #tpu.memory_space<vmem>>, vector<16xf32>,
        %mul3A_1511 = arith.mulf %get3A_1506, %get3A_1510 : vector<16xf32>
        %add3A_1512 = arith.addf %add3A_1502, %mul3A_1511 : vector<16xf32>
        %get3A_1513 = arith.index_cast %rem3A_110 : i32 to index
        %get3A_1514 = arith.index_cast %add3A_1483 : i32 to index
        %get3A_1515 = arith.constant 48 : index
        %get3A_1516 = tpu.vector_load %arg15[%get3A_1513, %get3A_1514, %get3A_1515] {strides = array<i32>} : memref<2x128x128xf32, #tpu.memory_space<vmem>>, vector<16xf32>,
        %get3A_1517 = arith.index_cast %rem3A_110 : i32 to index
        %get3A_1518 = arith.index_cast %add3A_1483 : i32 to index
        %get3A_1519 = arith.constant 48 : index
        %get3A_1520 = tpu.vector_load %arg16[%get3A_1517, %get3A_1518, %get3A_1519] {strides = array<i32>} : memref<2x128x128xf32, #tpu.memory_space<vmem>>, vector<16xf32>,
        %mul3A_1521 = arith.mulf %get3A_1516, %get3A_1520 : vector<16xf32>
        %add3A_1522 = arith.addf %add3A_1512, %mul3A_1521 : vector<16xf32>
        %get3A_1523 = arith.index_cast %rem3A_110 : i32 to index
        %get3A_1524 = arith.index_cast %add3A_1483 : i32 to index
        %get3A_1525 = arith.constant 64 : index
        %get3A_1526 = tpu.vector_load %arg15[%get3A_1523, %get3A_1524, %get3A_1525] {strides = array<i32>} : memref<2x128x128xf32, #tpu.memory_space<vmem>>, vector<16xf32>,
        %get3A_1527 = arith.index_cast %rem3A_110 : i32 to index
        %get3A_1528 = arith.index_cast %add3A_1483 : i32 to index
        %get3A_1529 = arith.constant 64 : index
        %get3A_1530 = tpu.vector_load %arg16[%get3A_1527, %get3A_1528, %get3A_1529] {strides = array<i32>} : memref<2x128x128xf32, #tpu.memory_space<vmem>>, vector<16xf32>,
        %mul3A_1531 = arith.mulf %get3A_1526, %get3A_1530 : vector<16xf32>
        %add3A_1532 = arith.addf %add3A_1522, %mul3A_1531 : vector<16xf32>
        %get3A_1533 = arith.index_cast %rem3A_110 : i32 to index
        %get3A_1534 = arith.index_cast %add3A_1483 : i32 to index
        %get3A_1535 = arith.constant 80 : index
        %get3A_1536 = tpu.vector_load %arg15[%get3A_1533, %get3A_1534, %get3A_1535] {strides = array<i32>} : memref<2x128x128xf32, #tpu.memory_space<vmem>>, vector<16xf32>,
        %get3A_1537 = arith.index_cast %rem3A_110 : i32 to index
        %get3A_1538 = arith.index_cast %add3A_1483 : i32 to index
        %get3A_1539 = arith.constant 80 : index
        %get3A_1540 = tpu.vector_load %arg16[%get3A_1537, %get3A_1538, %get3A_1539] {strides = array<i32>} : memref<2x128x128xf32, #tpu.memory_space<vmem>>, vector<16xf32>,
        %mul3A_1541 = arith.mulf %get3A_1536, %get3A_1540 : vector<16xf32>
        %add3A_1542 = arith.addf %add3A_1532, %mul3A_1541 : vector<16xf32>
        %get3A_1543 = arith.index_cast %rem3A_110 : i32 to index
        %get3A_1544 = arith.index_cast %add3A_1483 : i32 to index
        %get3A_1545 = arith.constant 96 : index
        %get3A_1546 = tpu.vector_load %arg15[%get3A_1543, %get3A_1544, %get3A_1545] {strides = array<i32>} : memref<2x128x128xf32, #tpu.memory_space<vmem>>, vector<16xf32>,
        %get3A_1547 = arith.index_cast %rem3A_110 : i32 to index
        %get3A_1548 = arith.index_cast %add3A_1483 : i32 to index
        %get3A_1549 = arith.constant 96 : index
        %get3A_1550 = tpu.vector_load %arg16[%get3A_1547, %get3A_1548, %get3A_1549] {strides = array<i32>} : memref<2x128x128xf32, #tpu.memory_space<vmem>>, vector<16xf32>,
        %mul3A_1551 = arith.mulf %get3A_1546, %get3A_1550 : vector<16xf32>
        %add3A_1552 = arith.addf %add3A_1542, %mul3A_1551 : vector<16xf32>
        %get3A_1553 = arith.index_cast %rem3A_110 : i32 to index
        %get3A_1554 = arith.index_cast %add3A_1483 : i32 to index
        %get3A_1555 = arith.constant 112 : index
        %get3A_1556 = tpu.vector_load %arg15[%get3A_1553, %get3A_1554, %get3A_1555] {strides = array<i32>} : memref<2x128x128xf32, #tpu.memory_space<vmem>>, vector<16xf32>,
        %get3A_1557 = arith.index_cast %rem3A_110 : i32 to index
        %get3A_1558 = arith.index_cast %add3A_1483 : i32 to index
        %get3A_1559 = arith.constant 112 : index
        %get3A_1560 = tpu.vector_load %arg16[%get3A_1557, %get3A_1558, %get3A_1559] {strides = array<i32>} : memref<2x128x128xf32, #tpu.memory_space<vmem>>, vector<16xf32>,
        %mul3A_1561 = arith.mulf %get3A_1556, %get3A_1560 : vector<16xf32>
        %add3A_1562 = arith.addf %add3A_1552, %mul3A_1561 : vector<16xf32>
        %add3A_1563 = arith.constant 255 : i32
        %add3A_1564 = arith.addi %mul3A_175, %add3A_1563 : i32
        %swap3A_1565 = arith.index_cast %add3A_1564 : i32 to index
        %swap3A_1566 = tpu.vector_load %arg19[%swap3A_1565] {strides = array<i32>} : memref<544xf32, #tpu.memory_space<vmem>>, vector<16xf32>,
        tpu.vector_store %arg19[%swap3A_1565], %add3A_1562 {strides = array<i32>} : memref<544xf32, #tpu.memory_space<vmem>>, vector<16xf32>,
        %mul3A_1567 = arith.constant 17 : i32
        %mul3A_1568 = vector.broadcast %mul3A_1567 : i32 to vector<16xi32>
        %mul3A_1569 = arith.muli %iota3A, %mul3A_1568 : vector<16xi32>
        %add3A_1570 = vector.broadcast %mul3A_175 : i32 to vector<16xi32>
        %add3A_1571 = arith.addi %mul3A_1569, %add3A_1570 : vector<16xi32>
        %gather3A = tpu.vector_load_idx %arg19[%add3A_1571] : memref<544xf32, #tpu.memory_space<vmem>>[vector<16xi32>], vector<16xf32>,
        %add3A_1572 = arith.constant 1 : i32
        %add3A_1573 = vector.broadcast %add3A_1572 : i32 to vector<16xi32>
        %add3A_1574 = arith.addi %add3A_1571, %add3A_1573 : vector<16xi32>
        %gather3A_1575 = tpu.vector_load_idx %arg19[%add3A_1574] : memref<544xf32, #tpu.memory_space<vmem>>[vector<16xi32>], vector<16xf32>,
        %add3A_1576 = arith.addf %gather3A, %gather3A_1575 : vector<16xf32>
        %add3A_1577 = arith.constant 2 : i32
        %add3A_1578 = vector.broadcast %add3A_1577 : i32 to vector<16xi32>
        %add3A_1579 = arith.addi %add3A_1571, %add3A_1578 : vector<16xi32>
        %gather3A_1580 = tpu.vector_load_idx %arg19[%add3A_1579] : memref<544xf32, #tpu.memory_space<vmem>>[vector<16xi32>], vector<16xf32>,
        %add3A_1581 = arith.addf %add3A_1576, %gather3A_1580 : vector<16xf32>
        %add3A_1582 = arith.constant 3 : i32
        %add3A_1583 = vector.broadcast %add3A_1582 : i32 to vector<16xi32>
        %add3A_1584 = arith.addi %add3A_1571, %add3A_1583 : vector<16xi32>
        %gather3A_1585 = tpu.vector_load_idx %arg19[%add3A_1584] : memref<544xf32, #tpu.memory_space<vmem>>[vector<16xi32>], vector<16xf32>,
        %add3A_1586 = arith.addf %add3A_1581, %gather3A_1585 : vector<16xf32>
        %add3A_1587 = arith.constant 4 : i32
        %add3A_1588 = vector.broadcast %add3A_1587 : i32 to vector<16xi32>
        %add3A_1589 = arith.addi %add3A_1571, %add3A_1588 : vector<16xi32>
        %gather3A_1590 = tpu.vector_load_idx %arg19[%add3A_1589] : memref<544xf32, #tpu.memory_space<vmem>>[vector<16xi32>], vector<16xf32>,
        %add3A_1591 = arith.addf %add3A_1586, %gather3A_1590 : vector<16xf32>
        %add3A_1592 = arith.constant 5 : i32
        %add3A_1593 = vector.broadcast %add3A_1592 : i32 to vector<16xi32>
        %add3A_1594 = arith.addi %add3A_1571, %add3A_1593 : vector<16xi32>
        %gather3A_1595 = tpu.vector_load_idx %arg19[%add3A_1594] : memref<544xf32, #tpu.memory_space<vmem>>[vector<16xi32>], vector<16xf32>,
        %add3A_1596 = arith.addf %add3A_1591, %gather3A_1595 : vector<16xf32>
        %add3A_1597 = arith.constant 6 : i32
        %add3A_1598 = vector.broadcast %add3A_1597 : i32 to vector<16xi32>
        %add3A_1599 = arith.addi %add3A_1571, %add3A_1598 : vector<16xi32>
        %gather3A_1600 = tpu.vector_load_idx %arg19[%add3A_1599] : memref<544xf32, #tpu.memory_space<vmem>>[vector<16xi32>], vector<16xf32>,
        %add3A_1601 = arith.addf %add3A_1596, %gather3A_1600 : vector<16xf32>
        %add3A_1602 = arith.constant 7 : i32
        %add3A_1603 = vector.broadcast %add3A_1602 : i32 to vector<16xi32>
        %add3A_1604 = arith.addi %add3A_1571, %add3A_1603 : vector<16xi32>
        %gather3A_1605 = tpu.vector_load_idx %arg19[%add3A_1604] : memref<544xf32, #tpu.memory_space<vmem>>[vector<16xi32>], vector<16xf32>,
        %add3A_1606 = arith.addf %add3A_1601, %gather3A_1605 : vector<16xf32>
        %add3A_1607 = arith.constant 8 : i32
        %add3A_1608 = vector.broadcast %add3A_1607 : i32 to vector<16xi32>
        %add3A_1609 = arith.addi %add3A_1571, %add3A_1608 : vector<16xi32>
        %gather3A_1610 = tpu.vector_load_idx %arg19[%add3A_1609] : memref<544xf32, #tpu.memory_space<vmem>>[vector<16xi32>], vector<16xf32>,
        %add3A_1611 = arith.addf %add3A_1606, %gather3A_1610 : vector<16xf32>
        %add3A_1612 = arith.constant 9 : i32
        %add3A_1613 = vector.broadcast %add3A_1612 : i32 to vector<16xi32>
        %add3A_1614 = arith.addi %add3A_1571, %add3A_1613 : vector<16xi32>
        %gather3A_1615 = tpu.vector_load_idx %arg19[%add3A_1614] : memref<544xf32, #tpu.memory_space<vmem>>[vector<16xi32>], vector<16xf32>,
        %add3A_1616 = arith.addf %add3A_1611, %gather3A_1615 : vector<16xf32>
        %add3A_1617 = arith.constant 10 : i32
        %add3A_1618 = vector.broadcast %add3A_1617 : i32 to vector<16xi32>
        %add3A_1619 = arith.addi %add3A_1571, %add3A_1618 : vector<16xi32>
        %gather3A_1620 = tpu.vector_load_idx %arg19[%add3A_1619] : memref<544xf32, #tpu.memory_space<vmem>>[vector<16xi32>], vector<16xf32>,
        %add3A_1621 = arith.addf %add3A_1616, %gather3A_1620 : vector<16xf32>
        %add3A_1622 = arith.constant 11 : i32
        %add3A_1623 = vector.broadcast %add3A_1622 : i32 to vector<16xi32>
        %add3A_1624 = arith.addi %add3A_1571, %add3A_1623 : vector<16xi32>
        %gather3A_1625 = tpu.vector_load_idx %arg19[%add3A_1624] : memref<544xf32, #tpu.memory_space<vmem>>[vector<16xi32>], vector<16xf32>,
        %add3A_1626 = arith.addf %add3A_1621, %gather3A_1625 : vector<16xf32>
        %add3A_1627 = arith.constant 12 : i32
        %add3A_1628 = vector.broadcast %add3A_1627 : i32 to vector<16xi32>
        %add3A_1629 = arith.addi %add3A_1571, %add3A_1628 : vector<16xi32>
        %gather3A_1630 = tpu.vector_load_idx %arg19[%add3A_1629] : memref<544xf32, #tpu.memory_space<vmem>>[vector<16xi32>], vector<16xf32>,
        %add3A_1631 = arith.addf %add3A_1626, %gather3A_1630 : vector<16xf32>
        %add3A_1632 = arith.constant 13 : i32
        %add3A_1633 = vector.broadcast %add3A_1632 : i32 to vector<16xi32>
        %add3A_1634 = arith.addi %add3A_1571, %add3A_1633 : vector<16xi32>
        %gather3A_1635 = tpu.vector_load_idx %arg19[%add3A_1634] : memref<544xf32, #tpu.memory_space<vmem>>[vector<16xi32>], vector<16xf32>,
        %add3A_1636 = arith.addf %add3A_1631, %gather3A_1635 : vector<16xf32>
        %add3A_1637 = arith.constant 14 : i32
        %add3A_1638 = vector.broadcast %add3A_1637 : i32 to vector<16xi32>
        %add3A_1639 = arith.addi %add3A_1571, %add3A_1638 : vector<16xi32>
        %gather3A_1640 = tpu.vector_load_idx %arg19[%add3A_1639] : memref<544xf32, #tpu.memory_space<vmem>>[vector<16xi32>], vector<16xf32>,
        %add3A_1641 = arith.addf %add3A_1636, %gather3A_1640 : vector<16xf32>
        %add3A_1642 = arith.constant 15 : i32
        %add3A_1643 = vector.broadcast %add3A_1642 : i32 to vector<16xi32>
        %add3A_1644 = arith.addi %add3A_1571, %add3A_1643 : vector<16xi32>
        %gather3A_1645 = tpu.vector_load_idx %arg19[%add3A_1644] : memref<544xf32, #tpu.memory_space<vmem>>[vector<16xi32>], vector<16xf32>,
        %add3A_1646 = arith.addf %add3A_1641, %gather3A_1645 : vector<16xf32>
        %mul3A_1647 = arith.constant 16 : i32
        %mul3A_1648 = arith.muli %scan3A_170, %mul3A_1647 : i32
        %get3A_1649 = arith.index_cast %rem3A_110 : i32 to index
        %get3A_1650 = arith.index_cast %mul3A_1648 : i32 to index
        %get3A_1651 = tpu.vector_load %arg17[%get3A_1649, %get3A_1650] {strides = array<i32>} : memref<2x128xf32, #tpu.memory_space<vmem>>, vector<16xf32>,
        %add3A_1652 = arith.addf %add3A_1646, %get3A_1651 : vector<16xf32>
        %get3A_1653 = arith.index_cast %rem3A_110 : i32 to index
        %get3A_1654 = arith.index_cast %mul3A_1648 : i32 to index
        %get3A_1655 = tpu.vector_load %arg18[%get3A_1653, %get3A_1654] {strides = array<i32>} : memref<2x128xf32, #tpu.memory_space<vmem>>, vector<16xf32>,
        %add3A_1656 = arith.addf %add3A_1652, %get3A_1655 : vector<16xf32>
        %add3A_1657 = arith.addi %mul3A_112, %mul3A_1648 : i32
        %get3A_1658 = arith.index_cast %add3A_1657 : i32 to index
        %get3A_1659 = tpu.vector_load %arg13[%get3A_1658] {strides = array<i32>} : memref<512xf32, #tpu.memory_space<vmem>>, vector<16xf32>,
        %sub3A_1660 = arith.subf %add3A_1656, %get3A_1659 : vector<16xf32>
        %add3A_1661 = arith.addi %mul3A_112, %mul3A_1648 : i32
        %get3A_1662 = arith.index_cast %add3A_1661 : i32 to index
        %get3A_1663 = tpu.vector_load %arg14[%get3A_1662] {strides = array<i32>} : memref<512xf32, #tpu.memory_space<vmem>>, vector<16xf32>,
        %mul3A_1664 = arith.mulf %get3A_1663, %sub3A_1660 : vector<16xf32>
        %mul3A_1665 = arith.mulf %mul3A_1664, %sub3A_1660 : vector<16xf32>
        %add3A_1666 = arith.addf %scan3A_171, %mul3A_1665 : vector<16xf32>
        scf.yield %add3A_1666 : vector<16xf32>
      }
      %scan3A_169 = arith.constant 8 : i32
      scf.yield %scan3A_168 : vector<16xf32>
    }
    %scan3A_72 = arith.constant 4 : i32
    %swap3A = arith.constant 0 : index
    %swap3A_73 = tpu.vector_load %arg20[%swap3A] {strides = array<i32>} : memref<16xf32, #tpu.memory_space<vmem>>, vector<16xf32>,
    tpu.vector_store %arg20[%swap3A], %scan3A_71 {strides = array<i32>} : memref<16xf32, #tpu.memory_space<vmem>>, vector<16xf32>,
    %jit3A = arith.constant 8 : i32
    %div3A = arith.divsi %add3A, %jit3A : i32
    %sign3A = arith.constant 0 : i32
    %sign3A_74 = arith.cmpi sgt, %add3A, %sign3A : i32
    %sign3A_75 = arith.extui %sign3A_74 : i1 to i32
    %sign3A_76 = arith.constant 0 : i32
    %sign3A_77 = arith.cmpi slt, %add3A, %sign3A_76 : i32
    %sign3A_78 = arith.extui %sign3A_77 : i1 to i32
    %sign3A_79 = arith.subi %sign3A_75, %sign3A_78 : i32
    %sign3A_80 = arith.constant 0 : i32
    %sign3A_81 = arith.cmpi sgt, %jit3A, %sign3A_80 : i32
    %sign3A_82 = arith.extui %sign3A_81 : i1 to i32
    %sign3A_83 = arith.constant 0 : i32
    %sign3A_84 = arith.cmpi slt, %jit3A, %sign3A_83 : i32
    %sign3A_85 = arith.extui %sign3A_84 : i1 to i32
    %sign3A_86 = arith.subi %sign3A_82, %sign3A_85 : i32
    %ne3A = arith.cmpi ne, %sign3A_79, %sign3A_86 : i32
    %rem3A_87 = arith.remsi %add3A, %jit3A : i32
    %ne3A_88 = arith.constant 0 : i32
    %ne3A_89 = arith.cmpi ne, %rem3A_87, %ne3A_88 : i32
    %and3A = arith.andi %ne3A, %ne3A_89 : i1
    %sub3A = arith.constant 1 : i32
    %sub3A_90 = arith.subi %div3A, %sub3A : i32
    %select_n3A = arith.select %and3A, %sub3A_90, %div3A : i32
    %jit3A_91 = arith.constant 8 : i32
    %eq3A = arith.constant 0 : i32
    %eq3A_92 = arith.cmpi eq, %jit3A_91, %eq3A : i32
    %jit3A_93 = arith.constant 1 : i32
    %select_n3A_94 = arith.select %eq3A_92, %jit3A_93, %jit3A_91 : i32
    %rem3A_95 = arith.remsi %add3A, %select_n3A_94 : i32
    %ne3A_96 = arith.constant 0 : i32
    %ne3A_97 = arith.cmpi ne, %rem3A_95, %ne3A_96 : i32
    %lt3A = arith.constant 0 : i32
    %lt3A_98 = arith.cmpi slt, %rem3A_95, %lt3A : i32
    %lt3A_99 = arith.constant 0 : i32
    %lt3A_100 = arith.cmpi slt, %select_n3A_94, %lt3A_99 : i32
    %ne3A_101 = arith.xori %lt3A_98, %lt3A_100 : i1
    %and3A_102 = arith.andi %ne3A_101, %ne3A_97 : i1
    %add3A_103 = arith.addi %rem3A_95, %select_n3A_94 : i32
    %select_n3A_104 = arith.select %and3A_102, %add3A_103, %rem3A_95 : i32
    %mul3A_105 = arith.constant 16 : i32
    %mul3A_106 = arith.muli %select_n3A_104, %mul3A_105 : i32
    "tpu.region"() ({
      %run_scoped3A = tpu.sem_alloc : memref<!tpu.dma_semaphore, #tpu.memory_space<semaphore_mem>>
      %dma_start3A_107 = tpu.memref_slice %arg10[%select_n3A, %mul3A_106] : memref<4x128xf32, #tpu.memory_space<hbm>> -> memref<1x16xf32, #tpu.memory_space<hbm>>
      %dma_start3A_108 = tpu.memref_squeeze %dma_start3A_107 : memref<1x16xf32, #tpu.memory_space<hbm>> -> memref<16xf32, #tpu.memory_space<hbm>>
      %dma_start3A_109 = tpu.memref_slice %arg10[%select_n3A, %mul3A_106] : memref<4x128xf32, #tpu.memory_space<hbm>> -> memref<1x16xf32, #tpu.memory_space<hbm>>
      %dma_start3A_110 = tpu.memref_squeeze %dma_start3A_109 : memref<1x16xf32, #tpu.memory_space<hbm>> -> memref<16xf32, #tpu.memory_space<hbm>>
      tpu.enqueue_dma source(%arg20 : memref<16xf32, #tpu.memory_space<vmem>>) target(%dma_start3A_110 : memref<16xf32, #tpu.memory_space<hbm>>) target_semaphore(%run_scoped3A : memref<!tpu.dma_semaphore, #tpu.memory_space<semaphore_mem>>)
      %dma_wait3A_111 = tpu.memref_slice %arg10[%select_n3A, %mul3A_106] : memref<4x128xf32, #tpu.memory_space<hbm>> -> memref<1x16xf32, #tpu.memory_space<hbm>>
      %dma_wait3A_112 = tpu.memref_squeeze %dma_wait3A_111 : memref<1x16xf32, #tpu.memory_space<hbm>> -> memref<16xf32, #tpu.memory_space<hbm>>
      %dma_wait3A_113 = tpu.memref_slice %arg10[%select_n3A, %mul3A_106] : memref<4x128xf32, #tpu.memory_space<hbm>> -> memref<1x16xf32, #tpu.memory_space<hbm>>
      %dma_wait3A_114 = tpu.memref_squeeze %dma_wait3A_113 : memref<1x16xf32, #tpu.memory_space<hbm>> -> memref<16xf32, #tpu.memory_space<hbm>>
      tpu.wait_dma2 semaphore(%run_scoped3A : memref<!tpu.dma_semaphore, #tpu.memory_space<semaphore_mem>>) src(%arg20 : memref<16xf32, #tpu.memory_space<vmem>>) dst(%dma_wait3A_114 : memref<16xf32, #tpu.memory_space<hbm>>)
      tpu.yield
    }) : () -> ()
    return
  }
}

module attributes {stable_mosaic.version = 14 : i64} {
  func.func @_sum_body(%arg0: memref<4x128xf32, #tpu.memory_space<vmem>>, %arg1: memref<1x1xf32, #tpu.memory_space<vmem>>) attributes {dimension_semantics = [], scalar_prefetch = 0 : i64, scratch_operands = 0 : i64, tpu.core_type = #tpu.core_type<tc>} {
    %get3A = arith.constant 0 : index
    %get3A_0 = arith.constant 0 : index
    %get3A_1 = vector.load %arg0[%get3A, %get3A_0] : memref<4x128xf32, #tpu.memory_space<vmem>>, vector<4x128xf32>
    %reduce_sum3A = vector.shape_cast %get3A_1 : vector<4x128xf32> to vector<1x4x128xf32>
    %reduce_sum3A_2 = arith.constant dense<0.000000e+00> : vector<1xf32>
    %reduce_sum3A_3 = vector.multi_reduction <add>, %reduce_sum3A, %reduce_sum3A_2 [1, 2] : vector<1x4x128xf32> to vector<1xf32>
    %reduce_sum3A_4 = vector.shape_cast %reduce_sum3A_3 : vector<1xf32> to vector<1x1x1xf32>
    %reduce_sum3A_5 = vector.extract %reduce_sum3A_4[0, 0, 0] : f32 from vector<1x1x1xf32>
    %reshape3A = vector.broadcast %reduce_sum3A_5 : f32 to vector<1x1xf32>
    %swap3A = arith.constant 0 : index
    %swap3A_6 = arith.constant 0 : index
    %swap3A_7 = vector.load %arg1[%swap3A, %swap3A_6] : memref<1x1xf32, #tpu.memory_space<vmem>>, vector<1x1xf32>
    tpu.vector_store %arg1[%swap3A, %swap3A_6], %reshape3A {strides = array<i32>} : memref<1x1xf32, #tpu.memory_space<vmem>>, vector<1x1xf32>,
    return
  }
}

</mosaic_0001>

<sc_bundles>
// kernel: kernel.4.cloned.1.call-start
scs
__scs_entry_jumppad:
0x0: {  	(pc) =	sbr.rel $0x88, $3  }
0x1: {  	(tag) =	ssettag $0x0;
	lr =	simm.s32 $0x1  }
0x2: {  	[smem:$0x3F99] =	sst lr;
	_ =	strace $0xD0000000  }
0x3: {  	_ = 	snop  }
0x4: {  	_ = 	snop  }
0x5: {  	_ = 	snop  }
0x6: {  	_ = 	snop  }
0x7: {  	_ = 	snop  }
__scs_overlays_trampoline_lowered:
0x8: {  	[smem:$0x3FA8] =	sst s0  }
0x9: {  	[smem:$0x3FA9] =	sst s1  }
0xa: {  	[smem:$0x3FAA] =	sst s2  }
0xb: {  	[smem:$0x3FAB] =	sst s3  }
0xc: {  	[smem:$0x3FAC] =	sst s4  }
0xd: {  	[smem:$0x3FAD] =	sst s5  }
0xe: {  	[smem:$0x3FAE] =	sst s6  }
0xf: {  	[smem:$0x3FAF] =	sst s7  }
0x10: {  	[smem:$0x3FB0] =	sst s8  }
0x11: {  	[smem:$0x3FB1] =	sst s9;
	s0 =	simm.s32 @!p0 $0x0  }
0x12: {  	s1 =	sld [smem:$0x3F97];
	s0 =	simm.s32 @p0 $0x1  }
0x13: {  	[smem:$0x3FB2] =	sst s0;
	s0 =	simm.s32 @!p1 $0x0  }
0x14: {  	s2 =	sld [smem:$0x3F96];
	s0 =	simm.s32 @p1 $0x1  }
0x15: {  	[smem:$0x3FB3] =	sst s0;
	s0 =	simm.s32 @!p2 $0x0  }
0x16: {  	s3 =	sld [smem:$0x3FDB];
	s0 =	simm.s32 @p2 $0x1  }
0x17: {  	s4 =	simm.s32 $0x1BF5;
	[smem:$0x3FB5] =	sst s0  }
0x18: {  	s0 =	sld [smem:$0x3F98];
	_ =	swait.ge [sflag:s4], $0x0  }
0x19: {  	s7 =	sld [smem:$0x3F99]  }
0x1a: {  	s8 =	sadd.s32 $0xFFFFE003, lr  }
0x1b: {  	s9 =	sadd.s32 $0xFFFFFEF7, lr;
	s5 =	simm.s32 $0xFFFFFFFF;
	p2 =	slt.u32 s8, $0xFFFFF086  }
0x1c: {  	p1 =	slt.u32 s9, $0xF7A;
	s5 =	simm.s32 @!p2 $0x0  }
0x1d: {  	s5 =	simm.s32 @p1 $0x1;
	p0 =	seq.s32 s7, s2  }
0x1e: {  	s7 =	smul.u32 @!p0 $0xF7A, s2;
	p2 =	seq.s32 @!p0 s5, $0x0  }
0x1f: {  	s9 =	smul.u32 $0xF7A, s1;
	s8 =	simm.s32 @!p0 $0x1BF5;
	p2 =	por !p2, p0  }
0x20: {  	[sflag:s8] =	ssyncset.s32 @!p0 $0xFFFFF086;
	s6 =	sadd.s32 @!p0 s3, s7;
	s7 =	simm.s32 @!p0 $0x108  }
0x21: {  	s3 =	sadd.s32 s3, s9;
	s6 =	sadd.s32 @!p0 $0x88, s6;
	s7 =	simm.s32 @p2 $0x1082  }
0x22: {  	[simem:s7], [sflag:s8] =	dma.local @!p0 [hbm:s6], $0xF7A  }
0x23: {  	s9 =	sor.u32 $0xD0000000, s2;
	s6 =	simm.s32 $0x108;
	_ =	swait.ge @!p0 [sflag:s8], $0x0  }
0x24: {  	s3 =	sadd.s32 $0x88, s3;
	s6 =	simm.s32 @!p1 $0x1082;
	[sflag:s4] =	ssyncset.s32 $0xFFFFF086  }
0x25: {  	[simem:s6], [sflag:s4] =	dma.local [hbm:s3], $0xF7A  }
0x26: {  	[smem:$0x3F99] =	sst s1;
	(tag) =	ssettag s2;
	_ =	strace s9  }
0x27: {  	s1 =	sld [smem:$0x3FA9]  }
0x28: {  	s2 =	sld [smem:$0x3FAA]  }
0x29: {  	s4 =	sld [smem:$0x3FAC]  }
0x2a: {  	p0 =	seq.s32 s5, $0x0;
	s5 =	sld [smem:$0x3FAD]  }
0x2b: {  	s6 =	sld [smem:$0x3FAE]  }
0x2c: {  	s7 =	sld [smem:$0x3FAF]  }
0x2d: {  	s3 =	simm.s32 $0x108;
	s8 =	sld [smem:$0x3FB0]  }
0x2e: {  	s3 =	simm.s32 @!p0 $0x1082;
	s9 =	sld [smem:$0x3FB1]  }
0x2f: {  	lr =	sadd.s32 s0, s3;
	s0 =	sld [smem:$0x3FA8]  }
0x30: {  	s3 =	sld [smem:$0x3FAB]  }
0x31: {  	[smem:$0x3FB4] =	sst s10  }
0x32: {  	s10 =	sld [smem:$0x3FB2];
	_ =	sdelay $0x3  }
0x33: {  	p0 =	seq.s32 s10, $0x1;
	s10 =	sld [smem:$0x3FB4];
	_ =	sdelay $0x3  }
0x34: {  	[smem:$0x3FB4] =	sst s10  }
0x35: {  	s10 =	sld [smem:$0x3FB3];
	_ =	sdelay $0x3  }
0x36: {  	p1 =	seq.s32 s10, $0x1;
	s10 =	sld [smem:$0x3FB4];
	_ =	sdelay $0x3  }
0x37: {  	[smem:$0x3FB4] =	sst s10  }
0x38: {  	s10 =	sld [smem:$0x3FB5]  }
0x39: {  	_ = 	snop;
	(pc) =	sbr.ind lr, $3  }
0x3a: {  	_ = 	snop  }
0x3b: {  	_ = 	snop  }
0x3c: {  	p2 =	seq.s32 s10, $0x1;
	s10 =	sld [smem:$0x3FB4]  }
0x3d: {  	_ =	shalt  }
0x3e: {  	_ =	shalt  }
0x3f: {  	_ =	shalt  }
0x40: {  	_ =	shalt  }
0x41: {  	_ =	shalt  }
0x42: {  	_ =	shalt  }
0x43: {  	_ =	shalt  }
0x44: {  	_ =	shalt  }
0x45: {  	_ =	shalt  }
0x46: {  	_ =	shalt  }
0x47: {  	_ =	shalt  }
0x48: {  	_ =	shalt  }
0x49: {  	_ =	shalt  }
0x4a: {  	_ =	shalt  }
0x4b: {  	_ =	shalt  }
0x4c: {  	_ =	shalt  }
0x4d: {  	_ =	shalt  }
0x4e: {  	_ =	shalt  }
0x4f: {  	_ =	shalt  }
0x50: {  	_ =	shalt  }
0x51: {  	_ =	shalt  }
0x52: {  	_ =	shalt  }
0x53: {  	_ =	shalt  }
0x54: {  	_ =	shalt  }
0x55: {  	_ =	shalt  }
0x56: {  	_ =	shalt  }
0x57: {  	_ =	shalt  }
0x58: {  	_ =	shalt  }
0x59: {  	_ =	shalt  }
0x5a: {  	_ =	shalt  }
0x5b: {  	_ =	shalt  }
0x5c: {  	_ =	shalt  }
0x5d: {  	_ =	shalt  }
0x5e: {  	_ =	shalt  }
0x5f: {  	_ =	shalt  }
0x60: {  	_ =	shalt  }
0x61: {  	_ =	shalt  }
0x62: {  	_ =	shalt  }
0x63: {  	_ =	shalt  }
0x64: {  	_ =	shalt  }
0x65: {  	_ =	shalt  }
0x66: {  	_ =	shalt  }
0x67: {  	_ =	shalt  }
0x68: {  	_ =	shalt  }
0x69: {  	_ =	shalt  }
0x6a: {  	_ =	shalt  }
0x6b: {  	_ =	shalt  }
0x6c: {  	_ =	shalt  }
0x6d: {  	_ =	shalt  }
0x6e: {  	_ =	shalt  }
0x6f: {  	_ =	shalt  }
0x70: {  	_ =	shalt  }
0x71: {  	_ =	shalt  }
0x72: {  	_ =	shalt  }
0x73: {  	_ =	shalt  }
0x74: {  	_ =	shalt  }
0x75: {  	_ =	shalt  }
0x76: {  	_ =	shalt  }
0x77: {  	_ =	shalt  }
0x78: {  	_ =	shalt  }
0x79: {  	_ =	shalt  }
0x7a: {  	_ =	shalt  }
0x7b: {  	_ =	shalt  }
0x7c: {  	_ =	shalt  }
0x7d: {  	_ =	shalt  }
0x7e: {  	_ =	shalt  }
0x7f: {  	_ =	shalt  }
0x80: {  	_ =	shalt  }
0x81: {  	_ =	shalt  }
0x82: {  	_ =	shalt  }
0x83: {  	_ =	shalt  }
0x84: {  	_ =	shalt  }
0x85: {  	_ =	shalt  }
0x86: {  	_ =	shalt  }
0x87: {  	_ =	shalt  }
.Lfunc_end0:
.L_simem_size_0:
called_computation_lowered:
.L_overlay_start_0:
0x88: {  	s2 =	sld [smem:$0x3FD9]  }
0x89: {  	s3 =	sld [smem:$0x3FFE];
	_ =	sdelay $0x1  }
0x8a: {  	s1 =	srdreg.scid  }
0x8b: {  	s0 =	sand.u32 $0x1, s1  }
0x8c: {  	s17 =	sshll.u32 s0, $0xA;
	s2 =	sadd.s32 s3, s2  }
0x8d: {  	s2 =	sadd.s32 s2, s17  }
0x8e: {  	[smem:$0x3FC0] =	sst s2  }
0x8f: {  	_ = 	snop  }
0x90: {  	s2 =	sld [smem:$0x3FC9]  }
0x91: {  	s18 =	sld [smem:$0x3FC8]  }
0x92: {  	s4 =	sld [smem:$0x3FC7]  }
0x93: {  	s5 =	sld [smem:$0x3FC6]  }
0x94: {  	s6 =	sld [smem:$0x3FC5]  }
0x95: {  	s7 =	sld [smem:$0x3FC4]  }
0x96: {  	s8 =	sld [smem:$0x3FC3]  }
0x97: {  	s9 =	sld [smem:$0x3FC2];
	(tm) =	ssettm $0x1  }
0x98: {  	s10 =	sld [smem:$0x3FFB];
	_ =	sdelay $0x3  }
0x99: {  	_ =	strace s10  }
0x9a: {  	s10 =	sld [smem:$0x3FFC];
	_ =	sdelay $0x3  }
0x9b: {  	_ =	strace s10  }
0x9c: {  	s10 =	sld [smem:$0x3FFD];
	_ =	sdelay $0x3  }
0x9d: {  	_ =	strace s10  }
0x9e: {  	_ =	strace $0x8FFFFFFF  }
0x9f: {  	s19 =	sld [smem:$0x3FDB];
	_ =	sdelay $0x1  }
0xa0: {  	s11 =	simm.s32 $_scs_section_size  }
0xa1: {  	s12 =	simm.s32 $_size__tile_overlayer_lowered;
	s13 =	simm.s32 $_tile_overlayer_lowered  }
0xa2: {  	s22 =	simm.s32 $0x1BFF;
	s21 =	sshll.u32 s13, $0x1;
	s10 =	sadd.s32 s11, s19  }
0xa3: {  	s14 =	simm.s32 $0x0;
	s20 =	sshll.u32 s12, $0x1;
	s12 =	sadd.s32 s21, s10  }
0xa4: {  	[timem:s14], [sflag:s22] =	dma.local [hbm:s12], s20  }
0xa5: {  	_ =	swait.ge [sflag:s22], s20  }
0xa6: {  	s11 =	ssub.s32 $0x0, s20;
	[sflag:s22] =	ssyncset.done $0x0  }
0xa7: {  	[sflag:s22] =	ssyncadd.s32 s11;
	_ =	sdelay $0x1  }
0xa8: {  	s23 =	simm.s32 $0x1B8B  }
0xa9: {  	_ =	swait.ge [sflag:s23], $0x1  }
0xaa: {  	[sflag:s23] =	ssyncset.done $0x0  }
0xab: {  	s25 =	simm.s32 $0x1B8E;
	s24 =	sld [smem:$0x3FFE];
	[sflag:s23] =	ssyncadd.s32 $0xFFFFFFFF  }
0xac: {  	s26 =	simm.s32 $execute0_lowered;
	[smem:$0x3FD2] =	sst s25  }
0xad: {  	s12 =	sshll.u32 s26, $0x1;
	_ =	strace $0x80000046;
	[dreg:$0x1] =	wrdreg $0xFFFFFFFF  }
0xae: {  	s28 =	simm.s32 $_size_execute0_lowered;
	s10 =	sadd.s32 s10, s12;
	[dreg:$0x0] =	wrdreg $0x0  }
0xaf: {  	s12 =	sshll.u32 s28, $0x1;
	[dreg:$0x2] =	wrdreg s10  }
0xb0: {  	[dreg:$0x3] =	wrdreg s12  }
0xb1: {  	[dreg:$0x4] =	wrdreg $0xC0  }
0xb2: {  	_ =	task [dreg:s14], $0x5FFFF  }
0xb3: {  	[dreg:$0x1] =	wrdreg $0xFFFFFFFF  }
0xb4: {  	[dreg:$0x0] =	wrdreg $0x60  }
0xb5: {  	[dreg:$0x2] =	wrdreg s2  }
0xb6: {  	[dreg:$0x3] =	wrdreg s18  }
0xb7: {  	[dreg:$0x4] =	wrdreg s4  }
0xb8: {  	[dreg:$0x5] =	wrdreg s5  }
0xb9: {  	[dreg:$0x6] =	wrdreg s6  }
0xba: {  	[dreg:$0x7] =	wrdreg s7  }
0xbb: {  	[dreg:$0x8] =	wrdreg s8  }
0xbc: {  	[dreg:$0x9] =	wrdreg s9  }
0xbd: {  	[dreg:$0xa] =	wrdreg s24  }
0xbe: {  	[dreg:$0xb] =	wrdreg $0x9  }
0xbf: {  	_ =	task.clear_ibuf [dreg:s14], $0xCFFFF;
	_ =	strace $0x90000046  }
0xc0: {  	s29 =	simm.s32 $0x9;
	_ =	strace $0x80000048  }
0xc1: {  	_ =	swait.ge [sflag:s29], $0x1  }
0xc2: {  	[sflag:s29] =	ssyncadd.s32 $0xFFFFFFFF  }
0xc3: {  	_ =	strace $0x90000048  }
0xc4: {  	_ =	sfence  }
0xc5: {  	s30 =	sld [smem:$0x0];
	_ =	sdelay $0x2  }
0xc6: {  	s31 =	sshll.u32 s1, $0xD;
	s1 =	sshrl.u32 s1, $0x2  }
0xc7: {  	s3 =	sand.u32 $0x4000, s31;
	s1 =	sadd.s32 s1, s30  }
0xc8: {  	s0 =	sor.u32 s3, s0;
	s1 =	sshll.u32 s1, $0x11  }
0xc9: {  	s0 =	sor.u32 s1, s0  }
0xca: {  	s0 =	sadd.s32 $0x8F2B, s0  }
0xcb: {  	[sflag:s0] =	ssyncadd.remote.s32 $0x1  }
0xcc: {  	_ =	sfence.sel $0xFFFF  }
0xcd: {  	[dreg:$0x0] =	wrdreg $0xFFFFFFFF;
	(pc) =	sbr.abs _section_cstart, $3  }
0xce: {  	[dreg:$0x1] =	wrdreg $0xFFFFFFFF  }
0xcf: {  	_ =	task.clear_ibuf [dreg:s14], $0x2FFFF;
	_ =	strace $0x9FFFFFFF  }
0xd0: {  	(tm) =	ssettm $0x7FFFFFFF  }
0xd1: {  	_ =	shalt  }
tec
execute0_lowered:
.L_overlay_start_1:
0x0: {  	(tag) =	ssettag $0x1  }
0x1: {  	s0 =	rddreg [dreg:$0x0]  }
0x2: {  	s5 =	rddreg [dreg:$0x1]  }
0x3: {  	s9 =	rddreg [dreg:$0x2]  }
0x4: {  	s10 =	rddreg [dreg:$0x3]  }
0x5: {  	s1 =	rddreg [dreg:$0x4]  }
0x6: {  	s2 =	rddreg [dreg:$0x5]  }
0x7: {  	s3 =	rddreg [dreg:$0x6]  }
0x8: {  	s4 =	rddreg [dreg:$0x7]  }
0x9: {  	s7 =	rddreg [dreg:$0x8];
	s6 =	simm.s32 $0x0  }
0xa: {  	s13 =	stileid.u32;
	s8 =	srdreg.scid;
	s16 =	simm.s32 $0x3  }
0xb: {  	s17 =	simm.s32 $0x80;
	s22 =	simm.s32 $0x10A00;
	s24 =	simm.s32 $0x4  }
0xc: {  	v0 =	vlaneseq.u32;
	s25 =	simm.s32 $0x0;
	[smem:$0x7FF] =	sst s6;
	s11 =	sshll.u32 s13, $0x2  }
0xd: {  	s8 =	sand.u32 $0x1, s8;
	s13 =	sshll.u32 s13, $0x1;
	v0 =	vmul.u32 $0x11, v0;
	_ =	strace $0x80000047  }
0xe: {  	s11 =	sand.u32 $0x30, s11;
	s12 =	ssub.s32 $0x2, s8;
	s8 =	sor.u32 s8, s13  }
0xf: {  	s11 =	sadd.s32 s11, s7;
	s30 =	sshrl.u32 s12, $0x1;
	s13 =	sshll.u32 s8, $0x6;
	v1 =	vadd.s32 $0x1, v0;
	v2 =	vadd.s32 $0x2, v0;
	v3 =	vadd.s32 $0x3, v0  }
0x10: {  	s14 =	sshll.u32 s8, $0x1;
	v4 =	vadd.s32 $0x4, v0;
	v5 =	vadd.s32 $0x5, v0;
	v6 =	vadd.s32 $0x6, v0;
	s12 =	ssub.s32 s12, s30;
	s0 =	sadd.s32 s0, s13  }
0x11: {  	v7 =	vadd.s32 $0x7, v0;
	v8 =	vadd.s32 $0x8, v0;
	v9 =	vadd.s32 $0x9, v0;
	s8 =	sadd.s32 s5, s13;
	s31 =	sand.u32 $0xE, s14;
	s9 =	sadd.s32 s9, s13  }
0x12: {  	v10 =	vadd.s32 $0xA, v0;
	v11 =	vadd.s32 $0xB, v0;
	v12 =	vadd.s32 $0xC, v0;
	s10 =	sadd.s32 s10, s13;
	[dreg:$0x10] =	wrdreg s0;
	s0 =	sadd.s32 s31, s11  }
0x13: {  	v13 =	vadd.s32 $0xD, v0;
	v14 =	vadd.s32 $0xE, v0;
	v15 =	vadd.s32 $0xF, v0;
	s13 =	simm.s32 $0x200;
	s12 =	smax.u32 s12, $0x1;
	s11 =	sadd.s32 $0x600, s0  }
.LBB2_1:
0x14: {  	s0 =	rddreg [dreg:$0x10]  }
0x15: {  	[tilespmem:s6], [sflag:$0x3] =	stream.linear.gather [hbm4b:s0+s6], $0x200, $0x38;
	[tilespmem:$0x10D00] =	vst v63  }
0x16: {  	_ = 	snop  }
0x17: {  	[tilespmem:s13], [sflag:$0x3] =	stream.linear.gather [hbm4b:s8+s6], $0x200, $0x38;
	[tilespmem:$0x10D00] =	vst v63  }
0x18: {  	s23 =	simm.s32 $0x400  }
0x19: {  	[tilespmem:s23], [sflag:$0x3] =	stream.linear.gather [hbm4b:s9+s6], $0x200, $0x38;
	[tilespmem:$0x10D00] =	vst v63  }
0x1a: {  	s26 =	simm.s32 $0x600  }
0x1b: {  	[tilespmem:s26], [sflag:$0x3] =	stream.linear.gather [hbm4b:s10+s6], $0x200, $0x38;
	[tilespmem:$0x10D00] =	vst v63  }
0x1c: {  	_ =	swait.ge [sflag:s16], $0x200  }
0x1d: {  	[sflag:s16] =	ssyncset.done $0x0  }
0x1e: {  	[sflag:s16] =	ssyncadd.s32 $0xFFFFFE00  }
0x1f: {  	_ =	swait.ge [sflag:s16], $0x200  }
0x20: {  	[sflag:s16] =	ssyncset.done $0x0  }
0x21: {  	[sflag:s16] =	ssyncadd.s32 $0xFFFFFE00  }
0x22: {  	_ =	swait.ge [sflag:s16], $0x200  }
0x23: {  	[sflag:s16] =	ssyncset.done $0x0  }
0x24: {  	[sflag:s16] =	ssyncadd.s32 $0xFFFFFE00  }
0x25: {  	_ =	swait.ge [sflag:s16], $0x200  }
0x26: {  	[sflag:s16] =	ssyncset.done $0x0  }
0x27: {  	s28 =	simm.s32 $0x800;
	[sflag:s16] =	ssyncadd.s32 $0xFFFFFE00  }
0x28: {  	[tilespmem:s28], [sflag:$0x1] =	stream.indirect.gather [hbm4b:s1+s17], $0x80, s6, s17, $0xb8;
	[tilespmem:$0x10D00] =	vst v63  }
0x29: {  	s29 =	simm.s32 $0x8800  }
0x2a: {  	[tilespmem:s29], [sflag:$0x1] =	stream.indirect.gather [hbm4b:s2+s17], $0x80, s13, s17, $0xb8;
	[tilespmem:$0x10D00] =	vst v63  }
0x2b: {  	s30 =	simm.s32 $0x10800  }
0x2c: {  	[tilespmem:s30], [sflag:$0x1] =	stream.indirect.gather [hbm4b:s3+s17], $0x1, s6, s17, $0xb8;
	[tilespmem:$0x10D00] =	vst v63  }
0x2d: {  	s31 =	simm.s32 $0x10900;
	s26 =	simm.s32 $0x0  }
0x2e: {  	v16 =	vimm.f32 $0.0e+00;
	[tilespmem:s31], [sflag:$0x1] =	stream.indirect.gather [hbm4b:s4+s17], $0x1, s13, s17, $0xb8;
	[tilespmem:$0x10D00] =	vst v63  }
.LBB2_2:
0x2f: {  	p0 =	seq.s32 s26, $0x3  }
0x30: {  	s0 =	sadd.s32 @!p0 $0x1, s26  }
0x31: {  	s5 =	sand.u32 @!p0 $0x1, s0  }
0x32: {  	s19 =	simm.s32 @!p0 $0x80;
	s14 =	sshll.u32 @!p0 s5, $0xE  }
0x33: {  	s0 =	sshll.u32 @!p0 s0, $0x7;
	s18 =	sadd.s32 @!p0 $0x1, s5;
	s15 =	sor.u32 @!p0 $0x800, s14  }
0x34: {  	[tilespmem:s15], [sflag:s18] =	stream.indirect.gather @!p0 [hbm4b:s1+s19], $0x80, s0, s19, $0xb8;
	[tilespmem:$0x10D00] =	vst v63  }
0x35: {  	s5 =	sshll.u32 @!p0 s5, $0x7;
	s14 =	sor.u32 @!p0 $0x8800, s14;
	s15 =	sadd.s32 @!p0 $0x200, s0  }
0x36: {  	[tilespmem:s14], [sflag:s18] =	stream.indirect.gather @!p0 [hbm4b:s2+s19], $0x80, s15, s19, $0xb8;
	[tilespmem:$0x10D00] =	vst v63  }
0x37: {  	s20 =	sand.u32 $0x1, s26;
	s14 =	sor.u32 @!p0 $0x10800, s5  }
0x38: {  	[tilespmem:s14], [sflag:s18] =	stream.indirect.gather @!p0 [hbm4b:s3+s19], $0x1, s0, s19, $0xb8;
	[tilespmem:$0x10D00] =	vst v63  }
0x39: {  	s7 =	sadd.s32 $0x1, s20;
	s0 =	sor.u32 @!p0 $0x10900, s5  }
0x3a: {  	[tilespmem:s0], [sflag:s18] =	stream.indirect.gather @!p0 [hbm4b:s4+s19], $0x1, s15, s19, $0xb8;
	[tilespmem:$0x10D00] =	vst v63  }
0x3b: {  	_ =	swait.ge [sflag:s7], $0x4000  }
0x3c: {  	[sflag:s7] =	ssyncset.done $0x0  }
0x3d: {  	[sflag:s7] =	ssyncadd.s32 $0xFFFFC000  }
0x3e: {  	_ =	swait.ge [sflag:s7], $0x4000  }
0x3f: {  	[sflag:s7] =	ssyncset.done $0x0  }
0x40: {  	[sflag:s7] =	ssyncadd.s32 $0xFFFFC000  }
0x41: {  	_ =	swait.ge [sflag:s7], $0x80  }
0x42: {  	s28 =	sshll.u32 s20, $0xE;
	[sflag:s7] =	ssyncset.done $0x0  }
0x43: {  	s14 =	sor.u32 $0x80, s28;
	[sflag:s7] =	ssyncadd.s32 $0xFFFFFF80  }
0x44: {  	s15 =	sor.u32 $0x100, s28;
	_ =	swait.ge [sflag:s7], $0x80;
	[dreg:$0xa] =	wrdreg s14  }
0x45: {  	s18 =	sor.u32 $0x180, s28;
	[dreg:$0xb] =	wrdreg s15  }
0x46: {  	s21 =	sor.u32 $0x280, s28;
	s19 =	sor.u32 $0x200, s28;
	[dreg:$0xc] =	wrdreg s18  }
0x47: {  	s23 =	sor.u32 $0x300, s28;
	s29 =	sor.u32 $0x380, s28;
	[dreg:$0xd] =	wrdreg s19  }
0x48: {  	s30 =	sor.u32 $0x400, s28;
	s31 =	sor.u32 $0x480, s28;
	[dreg:$0xe] =	wrdreg s21  }
0x49: {  	s5 =	sor.u32 $0x580, s28;
	s0 =	sor.u32 $0x500, s28;
	[dreg:$0xf] =	wrdreg s23  }
0x4a: {  	s14 =	sor.u32 $0x600, s28;
	s15 =	sor.u32 $0x680, s28;
	s21 =	sshll.u32 s20, $0x7  }
0x4b: {  	s23 =	sshll.u32 s26, $0x7;
	s18 =	sor.u32 $0x700, s28;
	[sflag:s7] =	ssyncset.done $0x0  }
0x4c: {  	s19 =	sor.u32 $0x780, s28;
	s20 =	simm.s32 $0x0;
	v17 =	vmov s21;
	v18 =	vmov s23;
	[sflag:s7] =	ssyncadd.s32 $0xFFFFFF80  }
.LBB2_3:
0x4d: {  	s23 =	sshll.u32 s20, $0xB  }
0x4e: {  	s21 =	sor.u32 s28, s23  }
0x4f: {  	v19 =	vld [tilespmem:s21+$0x800]  }
0x50: {  	v20 =	vld [tilespmem:s21+$0x8800]  }
0x51: {  	v21 =	vld [tilespmem:s21+$0x810]  }
0x52: {  	v22 =	vld [tilespmem:s21+$0x8810]  }
0x53: {  	v23 =	vld [tilespmem:s21+$0x820]  }
0x54: {  	v24 =	vld [tilespmem:s21+$0x8820]  }
0x55: {  	v25 =	vld [tilespmem:s21+$0x830]  }
0x56: {  	v26 =	vld [tilespmem:s21+$0x8830]  }
0x57: {  	v46 =	vld [tilespmem:s21+$0x840];
	v19 =	vmul.f32 v20, v19;
	v20 =	vmul.f32 v22, v21  }
0x58: {  	v47 =	vld [tilespmem:s21+$0x8840]  }
0x59: {  	v48 =	vld [tilespmem:s21+$0x850];
	v19 =	vadd.f32 v20, v19;
	v20 =	vmul.f32 v24, v23  }
0x5a: {  	v49 =	vld [tilespmem:s21+$0x8850]  }
0x5b: {  	v50 =	vld [tilespmem:s21+$0x860];
	v19 =	vadd.f32 v20, v19;
	v20 =	vmul.f32 v26, v25  }
0x5c: {  	v51 =	vld [tilespmem:s21+$0x8860]  }
0x5d: {  	v52 =	vld [tilespmem:s21+$0x870];
	v19 =	vadd.f32 v20, v19;
	v20 =	vmul.f32 v47, v46  }
0x5e: {  	v53 =	vld [tilespmem:s21+$0x8870]  }
0x5f: {  	v19 =	vadd.f32 v20, v19;
	v20 =	vmul.f32 v49, v48;
	_ =	sdelay $0x1  }
0x60: {  	v19 =	vadd.f32 v20, v19;
	v20 =	vmul.f32 v51, v50;
	_ =	sdelay $0x1  }
0x61: {  	v19 =	vadd.f32 v20, v19;
	v20 =	vmul.f32 v53, v52  }
0x62: {  	s21 =	sand.u32 $0x1, s20  }
0x63: {  	p0 =	seq.s32 s21, $0x1;
	s21 =	simm.s32 $0x110;
	v19 =	vadd.f32 v20, v19  }
0x64: {  	s7 =	rddreg [dreg:$0xa];
	s21 =	simm.s32 @!p0 $0x0  }
0x65: {  	s7 =	sor.u32 s7, s23;
	[tilespmem:s21+$0x10A00] =	vst v19  }
0x66: {  	v19 =	vld [tilespmem:s7+$0x800]  }
0x67: {  	v20 =	vld [tilespmem:s7+$0x8800]  }
0x68: {  	v54 =	vld [tilespmem:s7+$0x810]  }
0x69: {  	v55 =	vld [tilespmem:s7+$0x8810]  }
0x6a: {  	v56 =	vld [tilespmem:s7+$0x820]  }
0x6b: {  	v57 =	vld [tilespmem:s7+$0x8820]  }
0x6c: {  	v58 =	vld [tilespmem:s7+$0x830]  }
0x6d: {  	v59 =	vld [tilespmem:s7+$0x8830]  }
0x6e: {  	v60 =	vld [tilespmem:s7+$0x840];
	v19 =	vmul.f32 v20, v19;
	v20 =	vmul.f32 v55, v54  }
0x6f: {  	v61 =	vld [tilespmem:s7+$0x8840]  }
0x70: {  	v62 =	vld [tilespmem:s7+$0x850];
	v19 =	vadd.f32 v20, v19;
	v20 =	vmul.f32 v57, v56  }
0x71: {  	v63 =	vld [tilespmem:s7+$0x8850]  }
0x72: {  	v28 =	vld [tilespmem:s7+$0x860];
	v19 =	vadd.f32 v20, v19;
	v20 =	vmul.f32 v59, v58  }
0x73: {  	v29 =	vld [tilespmem:s7+$0x8860]  }
0x74: {  	v30 =	vld [tilespmem:s7+$0x870];
	v19 =	vadd.f32 v20, v19;
	v20 =	vmul.f32 v61, v60  }
0x75: {  	v31 =	vld [tilespmem:s7+$0x8870]  }
0x76: {  	v19 =	vadd.f32 v20, v19;
	v20 =	vmul.f32 v63, v62;
	_ =	sdelay $0x1  }
0x77: {  	v19 =	vadd.f32 v20, v19;
	v20 =	vmul.f32 v29, v28;
	_ =	sdelay $0x1  }
0x78: {  	v19 =	vadd.f32 v20, v19;
	v20 =	vmul.f32 v31, v30;
	_ =	sdelay $0x1  }
0x79: {  	v19 =	vadd.f32 v20, v19  }
0x7a: {  	s7 =	rddreg [dreg:$0xb]  }
0x7b: {  	s7 =	sor.u32 s7, s23;
	[tilespmem:s21+$0x10A11] =	vst v19  }
0x7c: {  	v19 =	vld [tilespmem:s7+$0x800]  }
0x7d: {  	v20 =	vld [tilespmem:s7+$0x8800]  }
0x7e: {  	v32 =	vld [tilespmem:s7+$0x810]  }
0x7f: {  	v33 =	vld [tilespmem:s7+$0x8810]  }
0x80: {  	v34 =	vld [tilespmem:s7+$0x820]  }
0x81: {  	v35 =	vld [tilespmem:s7+$0x8820]  }
0x82: {  	v36 =	vld [tilespmem:s7+$0x830]  }
0x83: {  	v37 =	vld [tilespmem:s7+$0x8830]  }
0x84: {  	v38 =	vld [tilespmem:s7+$0x840];
	v19 =	vmul.f32 v20, v19;
	v20 =	vmul.f32 v33, v32  }
0x85: {  	v39 =	vld [tilespmem:s7+$0x8840]  }
0x86: {  	v40 =	vld [tilespmem:s7+$0x850];
	v19 =	vadd.f32 v20, v19;
	v20 =	vmul.f32 v35, v34  }
0x87: {  	v41 =	vld [tilespmem:s7+$0x8850]  }
0x88: {  	v42 =	vld [tilespmem:s7+$0x860];
	v19 =	vadd.f32 v20, v19;
	v20 =	vmul.f32 v37, v36  }
0x89: {  	v43 =	vld [tilespmem:s7+$0x8860]  }
0x8a: {  	v44 =	vld [tilespmem:s7+$0x870];
	v19 =	vadd.f32 v20, v19;
	v20 =	vmul.f32 v39, v38  }
0x8b: {  	v45 =	vld [tilespmem:s7+$0x8870]  }
0x8c: {  	v19 =	vadd.f32 v20, v19;
	v20 =	vmul.f32 v41, v40;
	_ =	sdelay $0x1  }
0x8d: {  	v19 =	vadd.f32 v20, v19;
	v20 =	vmul.f32 v43, v42;
	_ =	sdelay $0x1  }
0x8e: {  	v19 =	vadd.f32 v20, v19;
	v20 =	vmul.f32 v45, v44;
	_ =	sdelay $0x1  }
0x8f: {  	v19 =	vadd.f32 v20, v19  }
0x90: {  	s7 =	rddreg [dreg:$0xc]  }
0x91: {  	s7 =	sor.u32 s7, s23;
	[tilespmem:s21+$0x10A22] =	vst v19  }
0x92: {  	v19 =	vld [tilespmem:s7+$0x800]  }
0x93: {  	v20 =	vld [tilespmem:s7+$0x8800]  }
0x94: {  	v46 =	vld [tilespmem:s7+$0x810]  }
0x95: {  	v47 =	vld [tilespmem:s7+$0x8810]  }
0x96: {  	v48 =	vld [tilespmem:s7+$0x820]  }
0x97: {  	v49 =	vld [tilespmem:s7+$0x8820]  }
0x98: {  	v50 =	vld [tilespmem:s7+$0x830]  }
0x99: {  	v51 =	vld [tilespmem:s7+$0x8830]  }
0x9a: {  	v52 =	vld [tilespmem:s7+$0x840];
	v19 =	vmul.f32 v20, v19;
	v20 =	vmul.f32 v47, v46  }
0x9b: {  	v53 =	vld [tilespmem:s7+$0x8840]  }
0x9c: {  	v54 =	vld [tilespmem:s7+$0x850];
	v19 =	vadd.f32 v20, v19;
	v20 =	vmul.f32 v49, v48  }
0x9d: {  	v55 =	vld [tilespmem:s7+$0x8850]  }
0x9e: {  	v56 =	vld [tilespmem:s7+$0x860];
	v19 =	vadd.f32 v20, v19;
	v20 =	vmul.f32 v51, v50  }
0x9f: {  	v57 =	vld [tilespmem:s7+$0x8860]  }
0xa0: {  	v58 =	vld [tilespmem:s7+$0x870];
	v19 =	vadd.f32 v20, v19;
	v20 =	vmul.f32 v53, v52  }
0xa1: {  	v59 =	vld [tilespmem:s7+$0x8870]  }
0xa2: {  	v19 =	vadd.f32 v20, v19;
	v20 =	vmul.f32 v55, v54;
	_ =	sdelay $0x1  }
0xa3: {  	v19 =	vadd.f32 v20, v19;
	v20 =	vmul.f32 v57, v56;
	_ =	sdelay $0x1  }
0xa4: {  	v19 =	vadd.f32 v20, v19;
	v20 =	vmul.f32 v59, v58;
	_ =	sdelay $0x1  }
0xa5: {  	v19 =	vadd.f32 v20, v19  }
0xa6: {  	s7 =	rddreg [dreg:$0xd]  }
0xa7: {  	s7 =	sor.u32 s7, s23;
	[tilespmem:s21+$0x10A33] =	vst v19  }
0xa8: {  	v19 =	vld [tilespmem:s7+$0x800]  }
0xa9: {  	v20 =	vld [tilespmem:s7+$0x8800]  }
0xaa: {  	v60 =	vld [tilespmem:s7+$0x810]  }
0xab: {  	v61 =	vld [tilespmem:s7+$0x8810]  }
0xac: {  	v62 =	vld [tilespmem:s7+$0x820]  }
0xad: {  	v63 =	vld [tilespmem:s7+$0x8820]  }
0xae: {  	v28 =	vld [tilespmem:s7+$0x830]  }
0xaf: {  	v29 =	vld [tilespmem:s7+$0x8830]  }
0xb0: {  	v30 =	vld [tilespmem:s7+$0x840];
	v19 =	vmul.f32 v20, v19;
	v20 =	vmul.f32 v61, v60  }
0xb1: {  	v31 =	vld [tilespmem:s7+$0x8840]  }
0xb2: {  	v32 =	vld [tilespmem:s7+$0x850];
	v19 =	vadd.f32 v20, v19;
	v20 =	vmul.f32 v63, v62  }
0xb3: {  	v33 =	vld [tilespmem:s7+$0x8850]  }
0xb4: {  	v34 =	vld [tilespmem:s7+$0x860];
	v19 =	vadd.f32 v20, v19;
	v20 =	vmul.f32 v29, v28  }
0xb5: {  	v35 =	vld [tilespmem:s7+$0x8860]  }
0xb6: {  	v36 =	vld [tilespmem:s7+$0x870];
	v19 =	vadd.f32 v20, v19;
	v20 =	vmul.f32 v31, v30  }
0xb7: {  	v37 =	vld [tilespmem:s7+$0x8870]  }
0xb8: {  	v19 =	vadd.f32 v20, v19;
	v20 =	vmul.f32 v33, v32;
	_ =	sdelay $0x1  }
0xb9: {  	v19 =	vadd.f32 v20, v19;
	v20 =	vmul.f32 v35, v34;
	_ =	sdelay $0x1  }
0xba: {  	v19 =	vadd.f32 v20, v19;
	v20 =	vmul.f32 v37, v36;
	_ =	sdelay $0x1  }
0xbb: {  	v19 =	vadd.f32 v20, v19  }
0xbc: {  	s7 =	rddreg [dreg:$0xe]  }
0xbd: {  	s7 =	sor.u32 s7, s23;
	[tilespmem:s21+$0x10A44] =	vst v19  }
0xbe: {  	v19 =	vld [tilespmem:s7+$0x800]  }
0xbf: {  	v20 =	vld [tilespmem:s7+$0x8800]  }
0xc0: {  	v38 =	vld [tilespmem:s7+$0x810]  }
0xc1: {  	v39 =	vld [tilespmem:s7+$0x8810]  }
0xc2: {  	v40 =	vld [tilespmem:s7+$0x820]  }
0xc3: {  	v41 =	vld [tilespmem:s7+$0x8820]  }
0xc4: {  	v42 =	vld [tilespmem:s7+$0x830]  }
0xc5: {  	v43 =	vld [tilespmem:s7+$0x8830]  }
0xc6: {  	v44 =	vld [tilespmem:s7+$0x840];
	v19 =	vmul.f32 v20, v19;
	v20 =	vmul.f32 v39, v38  }
0xc7: {  	v45 =	vld [tilespmem:s7+$0x8840]  }
0xc8: {  	v46 =	vld [tilespmem:s7+$0x850];
	v19 =	vadd.f32 v20, v19;
	v20 =	vmul.f32 v41, v40  }
0xc9: {  	v47 =	vld [tilespmem:s7+$0x8850]  }
0xca: {  	v48 =	vld [tilespmem:s7+$0x860];
	v19 =	vadd.f32 v20, v19;
	v20 =	vmul.f32 v43, v42  }
0xcb: {  	v49 =	vld [tilespmem:s7+$0x8860]  }
0xcc: {  	v50 =	vld [tilespmem:s7+$0x870];
	v19 =	vadd.f32 v20, v19;
	v20 =	vmul.f32 v45, v44  }
0xcd: {  	v51 =	vld [tilespmem:s7+$0x8870]  }
0xce: {  	v19 =	vadd.f32 v20, v19;
	v20 =	vmul.f32 v47, v46;
	_ =	sdelay $0x1  }
0xcf: {  	v19 =	vadd.f32 v20, v19;
	v20 =	vmul.f32 v49, v48;
	_ =	sdelay $0x1  }
0xd0: {  	v19 =	vadd.f32 v20, v19;
	v20 =	vmul.f32 v51, v50;
	_ =	sdelay $0x1  }
0xd1: {  	v19 =	vadd.f32 v20, v19  }
0xd2: {  	s7 =	rddreg [dreg:$0xf]  }
0xd3: {  	s7 =	sor.u32 s7, s23;
	[tilespmem:s21+$0x10A55] =	vst v19  }
0xd4: {  	v19 =	vld [tilespmem:s7+$0x800]  }
0xd5: {  	v20 =	vld [tilespmem:s7+$0x8800]  }
0xd6: {  	v52 =	vld [tilespmem:s7+$0x810]  }
0xd7: {  	v53 =	vld [tilespmem:s7+$0x8810]  }
0xd8: {  	v54 =	vld [tilespmem:s7+$0x820]  }
0xd9: {  	v55 =	vld [tilespmem:s7+$0x8820]  }
0xda: {  	v56 =	vld [tilespmem:s7+$0x830]  }
0xdb: {  	v57 =	vld [tilespmem:s7+$0x8830]  }
0xdc: {  	v58 =	vld [tilespmem:s7+$0x840];
	v19 =	vmul.f32 v20, v19;
	v20 =	vmul.f32 v53, v52  }
0xdd: {  	v59 =	vld [tilespmem:s7+$0x8840]  }
0xde: {  	v60 =	vld [tilespmem:s7+$0x850];
	v19 =	vadd.f32 v20, v19;
	v20 =	vmul.f32 v55, v54  }
0xdf: {  	v61 =	vld [tilespmem:s7+$0x8850]  }
0xe0: {  	v62 =	vld [tilespmem:s7+$0x860];
	v19 =	vadd.f32 v20, v19;
	v20 =	vmul.f32 v57, v56  }
0xe1: {  	v63 =	vld [tilespmem:s7+$0x8860]  }
0xe2: {  	v27 =	vld [tilespmem:s7+$0x870];
	v19 =	vadd.f32 v20, v19;
	v20 =	vmul.f32 v59, v58  }
0xe3: {  	v28 =	vld [tilespmem:s7+$0x8870]  }
0xe4: {  	v19 =	vadd.f32 v20, v19;
	v20 =	vmul.f32 v61, v60;
	_ =	sdelay $0x1  }
0xe5: {  	v19 =	vadd.f32 v20, v19;
	v20 =	vmul.f32 v63, v62;
	_ =	sdelay $0x1  }
0xe6: {  	v19 =	vadd.f32 v20, v19;
	v20 =	vmul.f32 v28, v27;
	_ =	sdelay $0x1  }
0xe7: {  	v19 =	vadd.f32 v20, v19;
	_ =	sdelay $0x1  }
0xe8: {  	s7 =	sor.u32 s29, s23;
	[tilespmem:s21+$0x10A66] =	vst v19  }
0xe9: {  	v19 =	vld [tilespmem:s7+$0x800]  }
0xea: {  	v20 =	vld [tilespmem:s7+$0x8800]  }
0xeb: {  	v29 =	vld [tilespmem:s7+$0x810]  }
0xec: {  	v30 =	vld [tilespmem:s7+$0x8810]  }
0xed: {  	v31 =	vld [tilespmem:s7+$0x820]  }
0xee: {  	v32 =	vld [tilespmem:s7+$0x8820]  }
0xef: {  	v33 =	vld [tilespmem:s7+$0x830]  }
0xf0: {  	v34 =	vld [tilespmem:s7+$0x8830]  }
0xf1: {  	v35 =	vld [tilespmem:s7+$0x840];
	v19 =	vmul.f32 v20, v19;
	v20 =	vmul.f32 v30, v29  }
0xf2: {  	v36 =	vld [tilespmem:s7+$0x8840]  }
0xf3: {  	v37 =	vld [tilespmem:s7+$0x850];
	v19 =	vadd.f32 v20, v19;
	v20 =	vmul.f32 v32, v31  }
0xf4: {  	v38 =	vld [tilespmem:s7+$0x8850]  }
0xf5: {  	v39 =	vld [tilespmem:s7+$0x860];
	v19 =	vadd.f32 v20, v19;
	v20 =	vmul.f32 v34, v33  }
0xf6: {  	v40 =	vld [tilespmem:s7+$0x8860]  }
0xf7: {  	v41 =	vld [tilespmem:s7+$0x870];
	v19 =	vadd.f32 v20, v19;
	v20 =	vmul.f32 v36, v35  }
0xf8: {  	v42 =	vld [tilespmem:s7+$0x8870]  }
0xf9: {  	v19 =	vadd.f32 v20, v19;
	v20 =	vmul.f32 v38, v37;
	_ =	sdelay $0x1  }
0xfa: {  	v19 =	vadd.f32 v20, v19;
	v20 =	vmul.f32 v40, v39;
	_ =	sdelay $0x1  }
0xfb: {  	v19 =	vadd.f32 v20, v19;
	v20 =	vmul.f32 v42, v41;
	_ =	sdelay $0x1  }
0xfc: {  	v19 =	vadd.f32 v20, v19;
	_ =	sdelay $0x1  }
0xfd: {  	s7 =	sor.u32 s30, s23;
	[tilespmem:s21+$0x10A77] =	vst v19  }
0xfe: {  	v19 =	vld [tilespmem:s7+$0x800]  }
0xff: {  	v20 =	vld [tilespmem:s7+$0x8800]  }
0x100: {  	v43 =	vld [tilespmem:s7+$0x810]  }
0x101: {  	v44 =	vld [tilespmem:s7+$0x8810]  }
0x102: {  	v45 =	vld [tilespmem:s7+$0x820]  }
0x103: {  	v46 =	vld [tilespmem:s7+$0x8820]  }
0x104: {  	v47 =	vld [tilespmem:s7+$0x830]  }
0x105: {  	v48 =	vld [tilespmem:s7+$0x8830]  }
0x106: {  	v49 =	vld [tilespmem:s7+$0x840];
	v19 =	vmul.f32 v20, v19;
	v20 =	vmul.f32 v44, v43  }
0x107: {  	v50 =	vld [tilespmem:s7+$0x8840]  }
0x108: {  	v51 =	vld [tilespmem:s7+$0x850];
	v19 =	vadd.f32 v20, v19;
	v20 =	vmul.f32 v46, v45  }
0x109: {  	v52 =	vld [tilespmem:s7+$0x8850]  }
0x10a: {  	v53 =	vld [tilespmem:s7+$0x860];
	v19 =	vadd.f32 v20, v19;
	v20 =	vmul.f32 v48, v47  }
0x10b: {  	v54 =	vld [tilespmem:s7+$0x8860]  }
0x10c: {  	v55 =	vld [tilespmem:s7+$0x870];
	v19 =	vadd.f32 v20, v19;
	v20 =	vmul.f32 v50, v49  }
0x10d: {  	v56 =	vld [tilespmem:s7+$0x8870]  }
0x10e: {  	v19 =	vadd.f32 v20, v19;
	v20 =	vmul.f32 v52, v51;
	_ =	sdelay $0x1  }
0x10f: {  	v19 =	vadd.f32 v20, v19;
	v20 =	vmul.f32 v54, v53;
	_ =	sdelay $0x1  }
0x110: {  	v19 =	vadd.f32 v20, v19;
	v20 =	vmul.f32 v56, v55;
	_ =	sdelay $0x1  }
0x111: {  	v19 =	vadd.f32 v20, v19;
	_ =	sdelay $0x1  }
0x112: {  	s7 =	sor.u32 s31, s23;
	[tilespmem:s21+$0x10A88] =	vst v19  }
0x113: {  	v19 =	vld [tilespmem:s7+$0x800]  }
0x114: {  	v20 =	vld [tilespmem:s7+$0x8800]  }
0x115: {  	v57 =	vld [tilespmem:s7+$0x810]  }
0x116: {  	v58 =	vld [tilespmem:s7+$0x8810]  }
0x117: {  	v59 =	vld [tilespmem:s7+$0x820]  }
0x118: {  	v60 =	vld [tilespmem:s7+$0x8820]  }
0x119: {  	v61 =	vld [tilespmem:s7+$0x830]  }
0x11a: {  	v62 =	vld [tilespmem:s7+$0x8830]  }
0x11b: {  	v63 =	vld [tilespmem:s7+$0x840];
	v19 =	vmul.f32 v20, v19;
	v20 =	vmul.f32 v58, v57  }
0x11c: {  	v28 =	vld [tilespmem:s7+$0x8840]  }
0x11d: {  	v29 =	vld [tilespmem:s7+$0x850];
	v19 =	vadd.f32 v20, v19;
	v20 =	vmul.f32 v60, v59  }
0x11e: {  	v30 =	vld [tilespmem:s7+$0x8850]  }
0x11f: {  	v31 =	vld [tilespmem:s7+$0x860];
	v19 =	vadd.f32 v20, v19;
	v20 =	vmul.f32 v62, v61  }
0x120: {  	v32 =	vld [tilespmem:s7+$0x8860]  }
0x121: {  	v33 =	vld [tilespmem:s7+$0x870];
	v19 =	vadd.f32 v20, v19;
	v20 =	vmul.f32 v28, v63  }
0x122: {  	v34 =	vld [tilespmem:s7+$0x8870]  }
0x123: {  	v19 =	vadd.f32 v20, v19;
	v20 =	vmul.f32 v30, v29;
	_ =	sdelay $0x1  }
0x124: {  	v19 =	vadd.f32 v20, v19;
	v20 =	vmul.f32 v32, v31;
	_ =	sdelay $0x1  }
0x125: {  	v19 =	vadd.f32 v20, v19;
	v20 =	vmul.f32 v34, v33;
	_ =	sdelay $0x1  }
0x126: {  	v19 =	vadd.f32 v20, v19;
	_ =	sdelay $0x1  }
0x127: {  	s7 =	sor.u32 s0, s23;
	[tilespmem:s21+$0x10A99] =	vst v19  }
0x128: {  	v19 =	vld [tilespmem:s7+$0x800]  }
0x129: {  	v20 =	vld [tilespmem:s7+$0x8800]  }
0x12a: {  	v35 =	vld [tilespmem:s7+$0x810]  }
0x12b: {  	v36 =	vld [tilespmem:s7+$0x8810]  }
0x12c: {  	v37 =	vld [tilespmem:s7+$0x820]  }
0x12d: {  	v38 =	vld [tilespmem:s7+$0x8820]  }
0x12e: {  	v39 =	vld [tilespmem:s7+$0x830]  }
0x12f: {  	v40 =	vld [tilespmem:s7+$0x8830]  }
0x130: {  	v41 =	vld [tilespmem:s7+$0x840];
	v19 =	vmul.f32 v20, v19;
	v20 =	vmul.f32 v36, v35  }
0x131: {  	v42 =	vld [tilespmem:s7+$0x8840]  }
0x132: {  	v43 =	vld [tilespmem:s7+$0x850];
	v19 =	vadd.f32 v20, v19;
	v20 =	vmul.f32 v38, v37  }
0x133: {  	v44 =	vld [tilespmem:s7+$0x8850]  }
0x134: {  	v45 =	vld [tilespmem:s7+$0x860];
	v19 =	vadd.f32 v20, v19;
	v20 =	vmul.f32 v40, v39  }
0x135: {  	v46 =	vld [tilespmem:s7+$0x8860]  }
0x136: {  	v47 =	vld [tilespmem:s7+$0x870];
	v19 =	vadd.f32 v20, v19;
	v20 =	vmul.f32 v42, v41  }
0x137: {  	v48 =	vld [tilespmem:s7+$0x8870]  }
0x138: {  	v19 =	vadd.f32 v20, v19;
	v20 =	vmul.f32 v44, v43;
	_ =	sdelay $0x1  }
0x139: {  	v19 =	vadd.f32 v20, v19;
	v20 =	vmul.f32 v46, v45;
	_ =	sdelay $0x1  }
0x13a: {  	v19 =	vadd.f32 v20, v19;
	v20 =	vmul.f32 v48, v47;
	_ =	sdelay $0x1  }
0x13b: {  	v19 =	vadd.f32 v20, v19;
	_ =	sdelay $0x1  }
0x13c: {  	s7 =	sor.u32 s5, s23;
	[tilespmem:s21+$0x10AAA] =	vst v19  }
0x13d: {  	v19 =	vld [tilespmem:s7+$0x800]  }
0x13e: {  	v20 =	vld [tilespmem:s7+$0x8800]  }
0x13f: {  	v49 =	vld [tilespmem:s7+$0x810]  }
0x140: {  	v50 =	vld [tilespmem:s7+$0x8810]  }
0x141: {  	v51 =	vld [tilespmem:s7+$0x820]  }
0x142: {  	v52 =	vld [tilespmem:s7+$0x8820]  }
0x143: {  	v53 =	vld [tilespmem:s7+$0x830]  }
0x144: {  	v54 =	vld [tilespmem:s7+$0x8830]  }
0x145: {  	v55 =	vld [tilespmem:s7+$0x840];
	v19 =	vmul.f32 v20, v19;
	v20 =	vmul.f32 v50, v49  }
0x146: {  	v56 =	vld [tilespmem:s7+$0x8840]  }
0x147: {  	v57 =	vld [tilespmem:s7+$0x850];
	v19 =	vadd.f32 v20, v19;
	v20 =	vmul.f32 v52, v51  }
0x148: {  	v58 =	vld [tilespmem:s7+$0x8850]  }
0x149: {  	v59 =	vld [tilespmem:s7+$0x860];
	v19 =	vadd.f32 v20, v19;
	v20 =	vmul.f32 v54, v53  }
0x14a: {  	v60 =	vld [tilespmem:s7+$0x8860]  }
0x14b: {  	v61 =	vld [tilespmem:s7+$0x870];
	v19 =	vadd.f32 v20, v19;
	v20 =	vmul.f32 v56, v55  }
0x14c: {  	v62 =	vld [tilespmem:s7+$0x8870]  }
0x14d: {  	v19 =	vadd.f32 v20, v19;
	v20 =	vmul.f32 v58, v57;
	_ =	sdelay $0x1  }
0x14e: {  	v19 =	vadd.f32 v20, v19;
	v20 =	vmul.f32 v60, v59;
	_ =	sdelay $0x1  }
0x14f: {  	v19 =	vadd.f32 v20, v19;
	v20 =	vmul.f32 v62, v61;
	_ =	sdelay $0x1  }
0x150: {  	v19 =	vadd.f32 v20, v19;
	_ =	sdelay $0x1  }
0x151: {  	s7 =	sor.u32 s14, s23;
	[tilespmem:s21+$0x10ABB] =	vst v19  }
0x152: {  	v19 =	vld [tilespmem:s7+$0x800]  }
0x153: {  	v20 =	vld [tilespmem:s7+$0x8800]  }
0x154: {  	v63 =	vld [tilespmem:s7+$0x810]  }
0x155: {  	v28 =	vld [tilespmem:s7+$0x8810]  }
0x156: {  	v29 =	vld [tilespmem:s7+$0x820]  }
0x157: {  	v30 =	vld [tilespmem:s7+$0x8820]  }
0x158: {  	v31 =	vld [tilespmem:s7+$0x830]  }
0x159: {  	v32 =	vld [tilespmem:s7+$0x8830]  }
0x15a: {  	v33 =	vld [tilespmem:s7+$0x840];
	v19 =	vmul.f32 v20, v19;
	v20 =	vmul.f32 v28, v63  }
0x15b: {  	v34 =	vld [tilespmem:s7+$0x8840]  }
0x15c: {  	v35 =	vld [tilespmem:s7+$0x850];
	v19 =	vadd.f32 v20, v19;
	v20 =	vmul.f32 v30, v29  }
0x15d: {  	v36 =	vld [tilespmem:s7+$0x8850]  }
0x15e: {  	v37 =	vld [tilespmem:s7+$0x860];
	v19 =	vadd.f32 v20, v19;
	v20 =	vmul.f32 v32, v31  }
0x15f: {  	v38 =	vld [tilespmem:s7+$0x8860]  }
0x160: {  	v39 =	vld [tilespmem:s7+$0x870];
	v19 =	vadd.f32 v20, v19;
	v20 =	vmul.f32 v34, v33  }
0x161: {  	v40 =	vld [tilespmem:s7+$0x8870]  }
0x162: {  	v19 =	vadd.f32 v20, v19;
	v20 =	vmul.f32 v36, v35;
	_ =	sdelay $0x1  }
0x163: {  	v19 =	vadd.f32 v20, v19;
	v20 =	vmul.f32 v38, v37;
	_ =	sdelay $0x1  }
0x164: {  	v19 =	vadd.f32 v20, v19;
	v20 =	vmul.f32 v40, v39;
	_ =	sdelay $0x1  }
0x165: {  	v19 =	vadd.f32 v20, v19;
	_ =	sdelay $0x1  }
0x166: {  	s7 =	sor.u32 s15, s23;
	[tilespmem:s21+$0x10ACC] =	vst v19  }
0x167: {  	v19 =	vld [tilespmem:s7+$0x800]  }
0x168: {  	v20 =	vld [tilespmem:s7+$0x8800]  }
0x169: {  	v41 =	vld [tilespmem:s7+$0x810]  }
0x16a: {  	v42 =	vld [tilespmem:s7+$0x8810]  }
0x16b: {  	v43 =	vld [tilespmem:s7+$0x820]  }
0x16c: {  	v44 =	vld [tilespmem:s7+$0x8820]  }
0x16d: {  	v45 =	vld [tilespmem:s7+$0x830]  }
0x16e: {  	v46 =	vld [tilespmem:s7+$0x8830]  }
0x16f: {  	v47 =	vld [tilespmem:s7+$0x840];
	v19 =	vmul.f32 v20, v19;
	v20 =	vmul.f32 v42, v41  }
0x170: {  	v48 =	vld [tilespmem:s7+$0x8840]  }
0x171: {  	v49 =	vld [tilespmem:s7+$0x850];
	v19 =	vadd.f32 v20, v19;
	v20 =	vmul.f32 v44, v43  }
0x172: {  	v50 =	vld [tilespmem:s7+$0x8850]  }
0x173: {  	v51 =	vld [tilespmem:s7+$0x860];
	v19 =	vadd.f32 v20, v19;
	v20 =	vmul.f32 v46, v45  }
0x174: {  	v52 =	vld [tilespmem:s7+$0x8860]  }
0x175: {  	v53 =	vld [tilespmem:s7+$0x870];
	v19 =	vadd.f32 v20, v19;
	v20 =	vmul.f32 v48, v47  }
0x176: {  	v54 =	vld [tilespmem:s7+$0x8870]  }
0x177: {  	v19 =	vadd.f32 v20, v19;
	v20 =	vmul.f32 v50, v49;
	_ =	sdelay $0x1  }
0x178: {  	v19 =	vadd.f32 v20, v19;
	v20 =	vmul.f32 v52, v51;
	_ =	sdelay $0x1  }
0x179: {  	v19 =	vadd.f32 v20, v19;
	v20 =	vmul.f32 v54, v53;
	_ =	sdelay $0x1  }
0x17a: {  	v19 =	vadd.f32 v20, v19;
	_ =	sdelay $0x1  }
0x17b: {  	s7 =	sor.u32 s18, s23;
	[tilespmem:s21+$0x10ADD] =	vst v19  }
0x17c: {  	v19 =	vld [tilespmem:s7+$0x800]  }
0x17d: {  	v20 =	vld [tilespmem:s7+$0x8800]  }
0x17e: {  	v55 =	vld [tilespmem:s7+$0x810]  }
0x17f: {  	v56 =	vld [tilespmem:s7+$0x8810]  }
0x180: {  	v57 =	vld [tilespmem:s7+$0x820]  }
0x181: {  	v58 =	vld [tilespmem:s7+$0x8820]  }
0x182: {  	v59 =	vld [tilespmem:s7+$0x830]  }
0x183: {  	v60 =	vld [tilespmem:s7+$0x8830]  }
0x184: {  	v61 =	vld [tilespmem:s7+$0x840];
	v19 =	vmul.f32 v20, v19;
	v20 =	vmul.f32 v56, v55  }
0x185: {  	v62 =	vld [tilespmem:s7+$0x8840]  }
0x186: {  	v63 =	vld [tilespmem:s7+$0x850];
	v19 =	vadd.f32 v20, v19;
	v20 =	vmul.f32 v58, v57  }
0x187: {  	v28 =	vld [tilespmem:s7+$0x8850]  }
0x188: {  	v29 =	vld [tilespmem:s7+$0x860];
	v19 =	vadd.f32 v20, v19;
	v20 =	vmul.f32 v60, v59  }
0x189: {  	v30 =	vld [tilespmem:s7+$0x8860]  }
0x18a: {  	v31 =	vld [tilespmem:s7+$0x870];
	v19 =	vadd.f32 v20, v19;
	v20 =	vmul.f32 v62, v61  }
0x18b: {  	v32 =	vld [tilespmem:s7+$0x8870]  }
0x18c: {  	v19 =	vadd.f32 v20, v19;
	v20 =	vmul.f32 v28, v63;
	_ =	sdelay $0x1  }
0x18d: {  	v19 =	vadd.f32 v20, v19;
	v20 =	vmul.f32 v30, v29;
	_ =	sdelay $0x1  }
0x18e: {  	v19 =	vadd.f32 v20, v19;
	v20 =	vmul.f32 v32, v31;
	_ =	sdelay $0x1  }
0x18f: {  	v19 =	vadd.f32 v20, v19;
	_ =	sdelay $0x1  }
0x190: {  	s23 =	sor.u32 s19, s23;
	[tilespmem:s21+$0x10AEE] =	vst v19  }
0x191: {  	v19 =	vld [tilespmem:s23+$0x800]  }
0x192: {  	v20 =	vld [tilespmem:s23+$0x8800]  }
0x193: {  	v33 =	vld [tilespmem:s23+$0x810]  }
0x194: {  	v34 =	vld [tilespmem:s23+$0x8810]  }
0x195: {  	v35 =	vld [tilespmem:s23+$0x820]  }
0x196: {  	v36 =	vld [tilespmem:s23+$0x8820]  }
0x197: {  	v37 =	vld [tilespmem:s23+$0x830]  }
0x198: {  	v38 =	vld [tilespmem:s23+$0x8830]  }
0x199: {  	v39 =	vld [tilespmem:s23+$0x840];
	v19 =	vmul.f32 v20, v19;
	v20 =	vmul.f32 v34, v33  }
0x19a: {  	v40 =	vld [tilespmem:s23+$0x8840]  }
0x19b: {  	v41 =	vld [tilespmem:s23+$0x850];
	v19 =	vadd.f32 v20, v19;
	v20 =	vmul.f32 v36, v35  }
0x19c: {  	v42 =	vld [tilespmem:s23+$0x8850]  }
0x19d: {  	v43 =	vld [tilespmem:s23+$0x860];
	v19 =	vadd.f32 v20, v19;
	v20 =	vmul.f32 v38, v37  }
0x19e: {  	v44 =	vld [tilespmem:s23+$0x8860]  }
0x19f: {  	v45 =	vld [tilespmem:s23+$0x870];
	v19 =	vadd.f32 v20, v19;
	v20 =	vmul.f32 v40, v39  }
0x1a0: {  	v46 =	vld [tilespmem:s23+$0x8870]  }
0x1a1: {  	v19 =	vadd.f32 v20, v19;
	v20 =	vmul.f32 v42, v41;
	_ =	sdelay $0x1  }
0x1a2: {  	v19 =	vadd.f32 v20, v19;
	v20 =	vmul.f32 v44, v43;
	_ =	sdelay $0x1  }
0x1a3: {  	v47 =	vadd.s32 s21, v0;
	v19 =	vadd.f32 v20, v19;
	v20 =	vmul.f32 v46, v45  }
0x1a4: {  	v48 =	vadd.s32 s21, v1  }
0x1a5: {  	v19 =	vadd.f32 v20, v19  }
0x1a6: {  	v20 =	vadd.s32 s21, v2  }
0x1a7: {  	[tilespmem:s21+$0x10AFF] =	vst v19  }
0x1a8: {  	v49 =	vadd.s32 s21, v3;
	v19 =	vld.idx.msk [tilespmem:v47+s22+$0x0], $0xffff  }
0x1a9: {  	v22 =	vld.idx.msk [tilespmem:v48+s22+$0x0], $0xffff  }
0x1aa: {  	v50 =	vadd.s32 s21, v4  }
0x1ab: {  	v20 =	vld.idx.msk [tilespmem:v20+s22+$0x0], $0xffff  }
0x1ac: {  	v51 =	vadd.s32 s21, v5  }
0x1ad: {  	v21 =	vld.idx.msk [tilespmem:v49+s22+$0x0], $0xffff  }
0x1ae: {  	v52 =	vadd.s32 s21, v6;
	v19 =	vadd.f32 v22, v19  }
0x1af: {  	v23 =	vld.idx.msk [tilespmem:v50+s22+$0x0], $0xffff  }
0x1b0: {  	v19 =	vadd.f32 v20, v19;
	v20 =	vadd.s32 s21, v7  }
0x1b1: {  	v24 =	vld.idx.msk [tilespmem:v51+s22+$0x0], $0xffff  }
0x1b2: {  	v53 =	vadd.s32 s21, v8;
	v19 =	vadd.f32 v21, v19  }
0x1b3: {  	v22 =	vld.idx.msk [tilespmem:v52+s22+$0x0], $0xffff  }
0x1b4: {  	v54 =	vadd.s32 s21, v9;
	v19 =	vadd.f32 v23, v19  }
0x1b5: {  	v20 =	vld.idx.msk [tilespmem:v20+s22+$0x0], $0xffff  }
0x1b6: {  	v55 =	vadd.s32 s21, v10;
	v19 =	vadd.f32 v24, v19  }
0x1b7: {  	v21 =	vld.idx.msk [tilespmem:v53+s22+$0x0], $0xffff  }
0x1b8: {  	v56 =	vadd.s32 s21, v11;
	v19 =	vadd.f32 v22, v19  }
0x1b9: {  	v23 =	vld.idx.msk [tilespmem:v54+s22+$0x0], $0xffff  }
0x1ba: {  	v19 =	vadd.f32 v20, v19;
	v20 =	vadd.s32 s21, v12  }
0x1bb: {  	v24 =	vld.idx.msk [tilespmem:v55+s22+$0x0], $0xffff  }
0x1bc: {  	v57 =	vadd.s32 s21, v13;
	v19 =	vadd.f32 v21, v19  }
0x1bd: {  	v22 =	vld.idx.msk [tilespmem:v56+s22+$0x0], $0xffff  }
0x1be: {  	v58 =	vadd.s32 s21, v14;
	v19 =	vadd.f32 v23, v19  }
0x1bf: {  	v20 =	vld.idx.msk [tilespmem:v20+s22+$0x0], $0xffff  }
0x1c0: {  	v59 =	vadd.s32 s21, v15;
	v19 =	vadd.f32 v24, v19  }
0x1c1: {  	v21 =	vld.idx.msk [tilespmem:v57+s22+$0x0], $0xffff  }
0x1c2: {  	v19 =	vadd.f32 v22, v19  }
0x1c3: {  	v60 =	vld.idx.msk [tilespmem:v58+s22+$0x0], $0xffff  }
0x1c4: {  	v19 =	vadd.f32 v20, v19  }
0x1c5: {  	v20 =	vld.idx.msk [tilespmem:v59+s22+$0x0], $0xffff  }
0x1c6: {  	s23 =	sshll.u32 s20, $0x4;
	v19 =	vadd.f32 v21, v19  }
0x1c7: {  	v61 =	vld.idx.msk [tilespmem:v17+s23+$0x10800 ss:$0x1], $0xffff  }
0x1c8: {  	v19 =	vadd.f32 v60, v19  }
0x1c9: {  	v62 =	vld.idx.msk [tilespmem:v17+s23+$0x10900 ss:$0x1], $0xffff  }
0x1ca: {  	v19 =	vadd.f32 v20, v19  }
0x1cb: {  	v20 =	vld.idx.msk [tilespmem:v18+s23+$0x400 ss:$0x1], $0xffff  }
0x1cc: {  	v19 =	vadd.f32 v61, v19  }
0x1cd: {  	v63 =	vld.idx.msk [tilespmem:v18+s23+$0x600 ss:$0x1], $0xffff  }
0x1ce: {  	v19 =	vadd.f32 v62, v19;
	_ =	sdelay $0x1  }
0x1cf: {  	v19 =	vsub.f32 v19, v20  }
0x1d0: {  	p0 =	sne.s32 s20, $0x7  }
.Ltmp0:
0x1d1: {  	v20 =	vmul.f32 v19, v63;
	(pc) =	sbr.rel @p0 .LBB2_3-.Ltmp0, $3  }
0x1d2: {  	_ = 	snop  }
0x1d3: {  	v19 =	vmul.f32 v20, v19;
	_ =	sdelay $0x1  }
0x1d4: {  	s20 =	sadd.s32 $0x1, s20;
	v16 =	vadd.f32 v19, v16  }
0x1d5: {  	s26 =	sadd.s32 $0x1, s26  }
0x1d6: {  	p0 =	sne.s32 s26, $0x4  }
.Ltmp1:
0x1d7: {  	_ = 	snop;
	(pc) =	sbr.rel @p0 .LBB2_2-.Ltmp1, $1  }
0x1d8: {  	_ =	sdelay $0x3  }
0x1d9: {  	s25 =	sadd.s32 $0x1, s25  }
0x1da: {  	p0 =	sne.s32 s25, s12  }
.Ltmp2:
0x1db: {  	[tilespmem:$0x10C80] =	vst v16;
	s0 =	simm.s32 $0x10C80;
	(pc) =	sbr.rel @p0 .LBB2_1-.Ltmp2, $4  }
0x1dc: {  	[hbm4b:s11+s6] =	stream.linear.scatter [tilespmem:s0], [sflag:$0x4], $0x10, $0x38;
	[tilespmem:$0x10D00] =	vst v63  }
0x1dd: {  	_ =	swait.ge [sflag:s24], $0x10  }
0x1de: {  	[sflag:s24] =	ssyncset.done $0x0  }
0x1df: {  	[sflag:s24] =	ssyncadd.s32 $0xFFFFFFF0  }
0x1e0: {  	_ =	sfence.sel $0x180000  }
0x1e1: {  	[bflag:$0x0] =	sbarrier.arrive $0xFFFF  }
0x1e2: {  	_ =	strace $0x90000047  }
0x1e3: {  	s0 =	stileid.u32;
	[bflag:$0x2] =	sbarrier.arrive $0xFFFF  }
0x1e4: {  	p0 =	sne.s32 s0, $0x0;
	s0 =	rddreg [dreg:$0x9]  }
0x1e5: {  	s0 =	sadd.s32 @!p0 $0x100000, s0  }
0x1e6: {  	[sflag:s0] =	ssyncadd.tile.s32 @!p0 $0x1;
	_ =	shalt  }
.Lfunc_end2:
_tile_overlayer_lowered:
.L_overlay_start_2:
0x1e7: {  	(tag) =	ssettag $0x2  }
0x1e8: {  	s0 =	rddreg [dreg:$0x0];
	s2 =	stileid.u32  }
0x1e9: {  	s1 =	rddreg [dreg:$0x1];
	p0 =	sne.s32 s2, $0x0  }
0x1ea: {  	s3 =	rddreg [dreg:$0x2];
	[bflag:$0x3] =	sbarrier.arrive $0xFFFF;
	s2 =	simm.s32 @!p0 $0x1C04  }
0x1eb: {  	[timem:s3], [sflag:s2] =	dma.local @!p0 [hbm:s0], s1  }
0x1ec: {  	s0 =	simm.s32 @!p0 $0x4  }
0x1ed: {  	_ =	swait.ge @!p0 [sflag:s0], s1  }
0x1ee: {  	s1 =	ssub.s32 @!p0 $0x0, s1;
	[sflag:s0] =	ssyncset.done @!p0 $0x0  }
0x1ef: {  	[sflag:s0] =	ssyncadd.s32 @!p0 s1  }
0x1f0: {  	[bflag:$0x3] =	sbarrier.arrive $0xFFFF  }
0x1f1: {  	_ =	shalt  }

</sc_bundles>
